<compile_context>
chip_gen: v7x
topology: tpu7x:2x2x1
jax: 0.10.2.dev20260603
libtpu: 0.0.44.dev20260713+nightly
codegen_flags: <defaults>
</compile_context>

<pallas_src>
import jax
import jax.numpy as jnp
from jax import lax
from jax.experimental import pallas as pl
from jax.experimental.pallas import tpu as pltpu
from jax.experimental.pallas import tpu_sc as plsc

N_DIM = 2048
ROWS = 4 * 4096
NW = 32
ROWS_PER_W = ROWS // NW
BLK_ROWS = 8
N_BLKS = ROWS_PER_W // BLK_ROWS
CHUNKS = N_DIM // 16


def _permute_body(x_hbm, perm_hbm, out_hbm,
                  perm_v, in_v0, in_v1, out_v0, out_v1,
                  isem0, isem1, osem0, osem1):
    wid = lax.axis_index("c") * 16 + lax.axis_index("s")
    w_row = wid * BLK_ROWS

    def in_copy(b, buf, sem):
        return pltpu.make_async_copy(
            x_hbm.at[pl.ds(w_row + b * (NW * BLK_ROWS), BLK_ROWS)], buf, sem)

    def out_copy(b, buf, sem):
        return pltpu.make_async_copy(
            buf, out_hbm.at[pl.ds(w_row + b * (NW * BLK_ROWS), BLK_ROWS)], sem)

    bufs = ((in_v0, out_v0, isem0, osem0), (in_v1, out_v1, isem1, osem1))

    in_copy(0, in_v0, isem0).start()
    in_copy(1, in_v1, isem1).start()
    pltpu.sync_copy(perm_hbm, perm_v)

    row_ids = [jnp.full((16,), r, jnp.int32) for r in range(BLK_ROWS)]

    def group(g, _):
        for p, (ib, ob, isem, osem) in enumerate(bufs):
            b = g * 2 + p
            in_copy(b, ib, isem).wait()

            @pl.when(b >= 2)
            def _():
                out_copy(b, ob, osem).wait()

            @plsc.parallel_loop(0, CHUNKS, unroll=8)
            def _(k):
                pv = perm_v[pl.ds(k * 16, 16)]
                for r in range(BLK_ROWS):
                    ob[r, pl.ds(k * 16, 16)] = plsc.load_gather(
                        ib, [row_ids[r], pv])

            out_copy(b, ob, osem).start()

            @pl.when(b + 2 < N_BLKS)
            def _():
                in_copy(b + 2, ib, isem).start()
        return 0
    lax.fori_loop(0, N_BLKS // 2, group, 0)

    out_copy(N_BLKS - 2, out_v0, osem0).wait()
    out_copy(N_BLKS - 1, out_v1, osem1).wait()


@jax.jit
def kernel(x, perm):
    shape = x.shape
    x2 = x.reshape(ROWS, N_DIM)
    perm32 = perm.astype(jnp.int32)
    mesh = plsc.VectorSubcoreMesh(core_axis_name="c", subcore_axis_name="s")
    out = pl.kernel(
        _permute_body,
        out_type=jax.ShapeDtypeStruct((ROWS, N_DIM), x.dtype),
        mesh=mesh,
        scratch_types=[
            pltpu.VMEM((N_DIM,), jnp.int32),
            pltpu.VMEM((BLK_ROWS, N_DIM), jnp.float32),
            pltpu.VMEM((BLK_ROWS, N_DIM), jnp.float32),
            pltpu.VMEM((BLK_ROWS, N_DIM), jnp.float32),
            pltpu.VMEM((BLK_ROWS, N_DIM), jnp.float32),
            pltpu.SemaphoreType.DMA,
            pltpu.SemaphoreType.DMA,
            pltpu.SemaphoreType.DMA,
            pltpu.SemaphoreType.DMA,
        ],
        compiler_params=pltpu.CompilerParams(needs_layout_passes=False),
    )(x2, perm32)
    return out.reshape(shape)

# --- scband reference (transcript-rebuilt; emitter-appended) ---
"""Pipeline reference for scband-permutation-matrix-13511967113234 (READ-ONLY COPY).

The authoritative reference and input builder live on the scoring server;
editing this copy changes nothing except your own understanding.
"""

import jax, jax.numpy as jnp
import numpy as np


def setup_inputs(seed: int = 0) -> dict:
    key = jax.random.key(seed)
    kx, kp = jax.random.split(key)
    n_dim = 2048
    x = jax.random.normal(kx, (4, 4096, n_dim), dtype=jnp.float32)
    # forward permutation built at module init (torch.randperm equivalent)
    perm = jax.random.permutation(kp, n_dim)
    return {"x": x, "perm": perm}


def reference(x, perm):
    # PermutationMatrix.project: x[..., forward_permutation]
    return jnp.take(x, perm, axis=-1)

if __name__ == "__main__":
    import jax
    _d = setup_inputs()
    print(jax.jit(kernel)(*tuple(_d.values())))

</pallas_src>

<mosaic_0001>
#map = affine_map<(d0, d1) -> (0, 0)>
#map1 = affine_map<(d0, d1) -> (0)>
module attributes {stable_mosaic.version = 14 : i64} {
  func.func @_permute_body(%arg0: i32, %arg1: i32, %arg2: memref<16384x2048xf32, #tpu.memory_space<hbm>>, %arg3: memref<2048xi32, #tpu.memory_space<hbm>>, %arg4: memref<16384x2048xf32, #tpu.memory_space<hbm>>, %arg5: memref<2048xi32, #tpu.memory_space<vmem>>, %arg6: memref<8x2048xf32, #tpu.memory_space<vmem>>, %arg7: memref<8x2048xf32, #tpu.memory_space<vmem>>, %arg8: memref<8x2048xf32, #tpu.memory_space<vmem>>, %arg9: memref<8x2048xf32, #tpu.memory_space<vmem>>, %arg10: memref<!tpu.dma_semaphore, #tpu.memory_space<semaphore_mem>>, %arg11: memref<!tpu.dma_semaphore, #tpu.memory_space<semaphore_mem>>, %arg12: memref<!tpu.dma_semaphore, #tpu.memory_space<semaphore_mem>>, %arg13: memref<!tpu.dma_semaphore, #tpu.memory_space<semaphore_mem>>) attributes {dimension_semantics = [#tpu.dimension_semantics<core_parallel>, #tpu.dimension_semantics<subcore_parallel>], iteration_bounds = array<i64: 2, 16>, scalar_prefetch = 0 : i64, scratch_operands = 9 : i64, tpu.core_type = #tpu.core_type<sc_vector_subcore>, window_params = [{transform_indices = #map}, {transform_indices = #map1}, {transform_indices = #map}]} {
    %mul3A = arith.constant 16 : i32
    %mul3A_0 = arith.muli %arg0, %mul3A : i32
    %add3A = arith.addi %mul3A_0, %arg1 : i32
    %mul3A_1 = arith.constant 8 : i32
    %mul3A_2 = arith.muli %add3A, %mul3A_1 : i32
    %add3A_3 = arith.constant 0 : i32
    %add3A_4 = arith.addi %mul3A_2, %add3A_3 : i32
    %dma_start3A = arith.constant 0 : i32
    %dma_start3A_5 = tpu.memref_slice %arg2[%add3A_4, %dma_start3A] : memref<16384x2048xf32, #tpu.memory_space<hbm>> -> memref<8x2048xf32, #tpu.memory_space<hbm>>
    %dma_start3A_6 = arith.constant 0 : i32
    %dma_start3A_7 = tpu.memref_slice %arg2[%add3A_4, %dma_start3A_6] : memref<16384x2048xf32, #tpu.memory_space<hbm>> -> memref<8x2048xf32, #tpu.memory_space<hbm>>
    tpu.enqueue_dma source(%dma_start3A_7 : memref<8x2048xf32, #tpu.memory_space<hbm>>) target(%arg6 : memref<8x2048xf32, #tpu.memory_space<vmem>>) target_semaphore(%arg10 : memref<!tpu.dma_semaphore, #tpu.memory_space<semaphore_mem>>)
    %add3A_8 = arith.constant 256 : i32
    %add3A_9 = arith.addi %mul3A_2, %add3A_8 : i32
    %dma_start3A_10 = arith.constant 0 : i32
    %dma_start3A_11 = tpu.memref_slice %arg2[%add3A_9, %dma_start3A_10] : memref<16384x2048xf32, #tpu.memory_space<hbm>> -> memref<8x2048xf32, #tpu.memory_space<hbm>>
    %dma_start3A_12 = arith.constant 0 : i32
    %dma_start3A_13 = tpu.memref_slice %arg2[%add3A_9, %dma_start3A_12] : memref<16384x2048xf32, #tpu.memory_space<hbm>> -> memref<8x2048xf32, #tpu.memory_space<hbm>>
    tpu.enqueue_dma source(%dma_start3A_13 : memref<8x2048xf32, #tpu.memory_space<hbm>>) target(%arg7 : memref<8x2048xf32, #tpu.memory_space<vmem>>) target_semaphore(%arg11 : memref<!tpu.dma_semaphore, #tpu.memory_space<semaphore_mem>>)
    "tpu.region"() ({
      %run_scoped3A = tpu.sem_alloc : memref<!tpu.dma_semaphore, #tpu.memory_space<semaphore_mem>>
      tpu.enqueue_dma source(%arg3 : memref<2048xi32, #tpu.memory_space<hbm>>) target(%arg5 : memref<2048xi32, #tpu.memory_space<vmem>>) target_semaphore(%run_scoped3A : memref<!tpu.dma_semaphore, #tpu.memory_space<semaphore_mem>>)
      tpu.wait_dma2 semaphore(%run_scoped3A : memref<!tpu.dma_semaphore, #tpu.memory_space<semaphore_mem>>) src(%arg3 : memref<2048xi32, #tpu.memory_space<hbm>>) dst(%arg5 : memref<2048xi32, #tpu.memory_space<vmem>>)
      tpu.yield
    }) : () -> ()
    %broadcast_in_dim3A = arith.constant 0 : i32
    %broadcast_in_dim3A_14 = vector.broadcast %broadcast_in_dim3A : i32 to vector<16xi32>
    %broadcast_in_dim3A_15 = arith.constant 1 : i32
    %broadcast_in_dim3A_16 = vector.broadcast %broadcast_in_dim3A_15 : i32 to vector<16xi32>
    %broadcast_in_dim3A_17 = arith.constant 2 : i32
    %broadcast_in_dim3A_18 = vector.broadcast %broadcast_in_dim3A_17 : i32 to vector<16xi32>
    %broadcast_in_dim3A_19 = arith.constant 3 : i32
    %broadcast_in_dim3A_20 = vector.broadcast %broadcast_in_dim3A_19 : i32 to vector<16xi32>
    %broadcast_in_dim3A_21 = arith.constant 4 : i32
    %broadcast_in_dim3A_22 = vector.broadcast %broadcast_in_dim3A_21 : i32 to vector<16xi32>
    %broadcast_in_dim3A_23 = arith.constant 5 : i32
    %broadcast_in_dim3A_24 = vector.broadcast %broadcast_in_dim3A_23 : i32 to vector<16xi32>
    %broadcast_in_dim3A_25 = arith.constant 6 : i32
    %broadcast_in_dim3A_26 = vector.broadcast %broadcast_in_dim3A_25 : i32 to vector<16xi32>
    %broadcast_in_dim3A_27 = arith.constant 7 : i32
    %broadcast_in_dim3A_28 = vector.broadcast %broadcast_in_dim3A_27 : i32 to vector<16xi32>
    %scan3A = arith.constant 0 : i32
    %scan3A_29 = arith.constant 0 : i32
    %scan3A_30 = arith.constant 32 : i32
    %scan3A_31 = arith.addi %scan3A_29, %scan3A_30 : i32
    %scan3A_32 = arith.constant 1 : i32
    %scan3A_33 = scf.for %scan3A_46 = %scan3A_29 to %scan3A_31 step %scan3A_32 iter_args(%scan3A_47 = %scan3A) -> (i32)  : i32 {
      %mul3A_48 = arith.constant 2 : i32
      %mul3A_49 = arith.muli %scan3A_46, %mul3A_48 : i32
      %add3A_50 = arith.constant 0 : i32
      %add3A_51 = arith.addi %mul3A_49, %add3A_50 : i32
      %mul3A_52 = arith.constant 256 : i32
      %mul3A_53 = arith.muli %add3A_51, %mul3A_52 : i32
      %add3A_54 = arith.addi %mul3A_2, %mul3A_53 : i32
      %dma_wait3A_55 = arith.constant 0 : i32
      %dma_wait3A_56 = tpu.memref_slice %arg2[%add3A_54, %dma_wait3A_55] : memref<16384x2048xf32, #tpu.memory_space<hbm>> -> memref<8x2048xf32, #tpu.memory_space<hbm>>
      %dma_wait3A_57 = arith.constant 0 : i32
      %dma_wait3A_58 = tpu.memref_slice %arg2[%add3A_54, %dma_wait3A_57] : memref<16384x2048xf32, #tpu.memory_space<hbm>> -> memref<8x2048xf32, #tpu.memory_space<hbm>>
      tpu.wait_dma2 semaphore(%arg10 : memref<!tpu.dma_semaphore, #tpu.memory_space<semaphore_mem>>) src(%dma_wait3A_58 : memref<8x2048xf32, #tpu.memory_space<hbm>>) dst(%arg6 : memref<8x2048xf32, #tpu.memory_space<vmem>>)
      %ge3A = arith.constant 2 : i32
      %ge3A_59 = arith.cmpi sge, %add3A_51, %ge3A : i32
      %convert_element_type3A = arith.extui %ge3A_59 : i1 to i32
      %cond3A = arith.constant 0 : i32
      %cond3A_60 = arith.cmpi ne, %convert_element_type3A, %cond3A : i32
      scf.if %cond3A_60 {
        %mul3A_110 = arith.constant 256 : i32
        %mul3A_111 = arith.muli %add3A_51, %mul3A_110 : i32
        %add3A_112 = arith.addi %mul3A_2, %mul3A_111 : i32
        %dma_wait3A_113 = arith.constant 0 : i32
        %dma_wait3A_114 = tpu.memref_slice %arg4[%add3A_112, %dma_wait3A_113] : memref<16384x2048xf32, #tpu.memory_space<hbm>> -> memref<8x2048xf32, #tpu.memory_space<hbm>>
        %dma_wait3A_115 = arith.constant 0 : i32
        %dma_wait3A_116 = tpu.memref_slice %arg4[%add3A_112, %dma_wait3A_115] : memref<16384x2048xf32, #tpu.memory_space<hbm>> -> memref<8x2048xf32, #tpu.memory_space<hbm>>
        tpu.wait_dma2 semaphore(%arg12 : memref<!tpu.dma_semaphore, #tpu.memory_space<semaphore_mem>>) src(%arg8 : memref<8x2048xf32, #tpu.memory_space<vmem>>) dst(%dma_wait3A_116 : memref<8x2048xf32, #tpu.memory_space<hbm>>)
      } else {
      }
      %parallel_loop3A = arith.constant 0 : i32
      %parallel_loop3A_61 = arith.constant 128 : i32
      %parallel_loop3A_62 = arith.constant 1 : i32
      scf.for %parallel_loop3A_110 = %parallel_loop3A to %parallel_loop3A_61 step %parallel_loop3A_62  : i32 {
        %parallel_loop3A_111 = arith.constant 16 : i32
        %parallel_loop3A_112 = arith.muli %parallel_loop3A_110, %parallel_loop3A_111 : i32
        %parallel_loop3A_113 = arith.index_cast %parallel_loop3A_112 : i32 to index
        %parallel_loop3A_114 = tpu.vector_load %arg5[%parallel_loop3A_113] {strides = array<i32>} : memref<2048xi32, #tpu.memory_space<vmem>>, vector<16xi32>,
        %parallel_loop3A_115 = tpu.vector_load_idx %arg6[%broadcast_in_dim3A_14, %parallel_loop3A_114] : memref<8x2048xf32, #tpu.memory_space<vmem>>[vector<16xi32>, vector<16xi32>], vector<16xf32>,
        %parallel_loop3A_116 = arith.constant 16 : i32
        %parallel_loop3A_117 = arith.muli %parallel_loop3A_110, %parallel_loop3A_116 : i32
        %parallel_loop3A_118 = arith.constant 0 : i32
        %parallel_loop3A_119 = arith.index_cast %parallel_loop3A_118 : i32 to index
        %parallel_loop3A_120 = arith.index_cast %parallel_loop3A_117 : i32 to index
        %parallel_loop3A_121 = tpu.vector_load %arg8[%parallel_loop3A_119, %parallel_loop3A_120] {strides = array<i32>} : memref<8x2048xf32, #tpu.memory_space<vmem>>, vector<16xf32>,
        tpu.vector_store %arg8[%parallel_loop3A_119, %parallel_loop3A_120], %parallel_loop3A_115 {strides = array<i32>} : memref<8x2048xf32, #tpu.memory_space<vmem>>, vector<16xf32>,
        %parallel_loop3A_122 = tpu.vector_load_idx %arg6[%broadcast_in_dim3A_16, %parallel_loop3A_114] : memref<8x2048xf32, #tpu.memory_space<vmem>>[vector<16xi32>, vector<16xi32>], vector<16xf32>,
        %parallel_loop3A_123 = arith.constant 16 : i32
        %parallel_loop3A_124 = arith.muli %parallel_loop3A_110, %parallel_loop3A_123 : i32
        %parallel_loop3A_125 = arith.constant 1 : i32
        %parallel_loop3A_126 = arith.index_cast %parallel_loop3A_125 : i32 to index
        %parallel_loop3A_127 = arith.index_cast %parallel_loop3A_124 : i32 to index
        %parallel_loop3A_128 = tpu.vector_load %arg8[%parallel_loop3A_126, %parallel_loop3A_127] {strides = array<i32>} : memref<8x2048xf32, #tpu.memory_space<vmem>>, vector<16xf32>,
        tpu.vector_store %arg8[%parallel_loop3A_126, %parallel_loop3A_127], %parallel_loop3A_122 {strides = array<i32>} : memref<8x2048xf32, #tpu.memory_space<vmem>>, vector<16xf32>,
        %parallel_loop3A_129 = tpu.vector_load_idx %arg6[%broadcast_in_dim3A_18, %parallel_loop3A_114] : memref<8x2048xf32, #tpu.memory_space<vmem>>[vector<16xi32>, vector<16xi32>], vector<16xf32>,
        %parallel_loop3A_130 = arith.constant 16 : i32
        %parallel_loop3A_131 = arith.muli %parallel_loop3A_110, %parallel_loop3A_130 : i32
        %parallel_loop3A_132 = arith.constant 2 : i32
        %parallel_loop3A_133 = arith.index_cast %parallel_loop3A_132 : i32 to index
        %parallel_loop3A_134 = arith.index_cast %parallel_loop3A_131 : i32 to index
        %parallel_loop3A_135 = tpu.vector_load %arg8[%parallel_loop3A_133, %parallel_loop3A_134] {strides = array<i32>} : memref<8x2048xf32, #tpu.memory_space<vmem>>, vector<16xf32>,
        tpu.vector_store %arg8[%parallel_loop3A_133, %parallel_loop3A_134], %parallel_loop3A_129 {strides = array<i32>} : memref<8x2048xf32, #tpu.memory_space<vmem>>, vector<16xf32>,
        %parallel_loop3A_136 = tpu.vector_load_idx %arg6[%broadcast_in_dim3A_20, %parallel_loop3A_114] : memref<8x2048xf32, #tpu.memory_space<vmem>>[vector<16xi32>, vector<16xi32>], vector<16xf32>,
        %parallel_loop3A_137 = arith.constant 16 : i32
        %parallel_loop3A_138 = arith.muli %parallel_loop3A_110, %parallel_loop3A_137 : i32
        %parallel_loop3A_139 = arith.constant 3 : i32
        %parallel_loop3A_140 = arith.index_cast %parallel_loop3A_139 : i32 to index
        %parallel_loop3A_141 = arith.index_cast %parallel_loop3A_138 : i32 to index
        %parallel_loop3A_142 = tpu.vector_load %arg8[%parallel_loop3A_140, %parallel_loop3A_141] {strides = array<i32>} : memref<8x2048xf32, #tpu.memory_space<vmem>>, vector<16xf32>,
        tpu.vector_store %arg8[%parallel_loop3A_140, %parallel_loop3A_141], %parallel_loop3A_136 {strides = array<i32>} : memref<8x2048xf32, #tpu.memory_space<vmem>>, vector<16xf32>,
        %parallel_loop3A_143 = tpu.vector_load_idx %arg6[%broadcast_in_dim3A_22, %parallel_loop3A_114] : memref<8x2048xf32, #tpu.memory_space<vmem>>[vector<16xi32>, vector<16xi32>], vector<16xf32>,
        %parallel_loop3A_144 = arith.constant 16 : i32
        %parallel_loop3A_145 = arith.muli %parallel_loop3A_110, %parallel_loop3A_144 : i32
        %parallel_loop3A_146 = arith.constant 4 : i32
        %parallel_loop3A_147 = arith.index_cast %parallel_loop3A_146 : i32 to index
        %parallel_loop3A_148 = arith.index_cast %parallel_loop3A_145 : i32 to index
        %parallel_loop3A_149 = tpu.vector_load %arg8[%parallel_loop3A_147, %parallel_loop3A_148] {strides = array<i32>} : memref<8x2048xf32, #tpu.memory_space<vmem>>, vector<16xf32>,
        tpu.vector_store %arg8[%parallel_loop3A_147, %parallel_loop3A_148], %parallel_loop3A_143 {strides = array<i32>} : memref<8x2048xf32, #tpu.memory_space<vmem>>, vector<16xf32>,
        %parallel_loop3A_150 = tpu.vector_load_idx %arg6[%broadcast_in_dim3A_24, %parallel_loop3A_114] : memref<8x2048xf32, #tpu.memory_space<vmem>>[vector<16xi32>, vector<16xi32>], vector<16xf32>,
        %parallel_loop3A_151 = arith.constant 16 : i32
        %parallel_loop3A_152 = arith.muli %parallel_loop3A_110, %parallel_loop3A_151 : i32
        %parallel_loop3A_153 = arith.constant 5 : i32
        %parallel_loop3A_154 = arith.index_cast %parallel_loop3A_153 : i32 to index
        %parallel_loop3A_155 = arith.index_cast %parallel_loop3A_152 : i32 to index
        %parallel_loop3A_156 = tpu.vector_load %arg8[%parallel_loop3A_154, %parallel_loop3A_155] {strides = array<i32>} : memref<8x2048xf32, #tpu.memory_space<vmem>>, vector<16xf32>,
        tpu.vector_store %arg8[%parallel_loop3A_154, %parallel_loop3A_155], %parallel_loop3A_150 {strides = array<i32>} : memref<8x2048xf32, #tpu.memory_space<vmem>>, vector<16xf32>,
        %parallel_loop3A_157 = tpu.vector_load_idx %arg6[%broadcast_in_dim3A_26, %parallel_loop3A_114] : memref<8x2048xf32, #tpu.memory_space<vmem>>[vector<16xi32>, vector<16xi32>], vector<16xf32>,
        %parallel_loop3A_158 = arith.constant 16 : i32
        %parallel_loop3A_159 = arith.muli %parallel_loop3A_110, %parallel_loop3A_158 : i32
        %parallel_loop3A_160 = arith.constant 6 : i32
        %parallel_loop3A_161 = arith.index_cast %parallel_loop3A_160 : i32 to index
        %parallel_loop3A_162 = arith.index_cast %parallel_loop3A_159 : i32 to index
        %parallel_loop3A_163 = tpu.vector_load %arg8[%parallel_loop3A_161, %parallel_loop3A_162] {strides = array<i32>} : memref<8x2048xf32, #tpu.memory_space<vmem>>, vector<16xf32>,
        tpu.vector_store %arg8[%parallel_loop3A_161, %parallel_loop3A_162], %parallel_loop3A_157 {strides = array<i32>} : memref<8x2048xf32, #tpu.memory_space<vmem>>, vector<16xf32>,
        %parallel_loop3A_164 = tpu.vector_load_idx %arg6[%broadcast_in_dim3A_28, %parallel_loop3A_114] : memref<8x2048xf32, #tpu.memory_space<vmem>>[vector<16xi32>, vector<16xi32>], vector<16xf32>,
        %parallel_loop3A_165 = arith.constant 16 : i32
        %parallel_loop3A_166 = arith.muli %parallel_loop3A_110, %parallel_loop3A_165 : i32
        %parallel_loop3A_167 = arith.constant 7 : i32
        %parallel_loop3A_168 = arith.index_cast %parallel_loop3A_167 : i32 to index
        %parallel_loop3A_169 = arith.index_cast %parallel_loop3A_166 : i32 to index
        %parallel_loop3A_170 = tpu.vector_load %arg8[%parallel_loop3A_168, %parallel_loop3A_169] {strides = array<i32>} : memref<8x2048xf32, #tpu.memory_space<vmem>>, vector<16xf32>,
        tpu.vector_store %arg8[%parallel_loop3A_168, %parallel_loop3A_169], %parallel_loop3A_164 {strides = array<i32>} : memref<8x2048xf32, #tpu.memory_space<vmem>>, vector<16xf32>,
      } {sc.loop_unroll_factor = 8 : i64, sc.parallel_access}
      %mul3A_63 = arith.constant 256 : i32
      %mul3A_64 = arith.muli %add3A_51, %mul3A_63 : i32
      %add3A_65 = arith.addi %mul3A_2, %mul3A_64 : i32
      %dma_start3A_66 = arith.constant 0 : i32
      %dma_start3A_67 = tpu.memref_slice %arg4[%add3A_65, %dma_start3A_66] : memref<16384x2048xf32, #tpu.memory_space<hbm>> -> memref<8x2048xf32, #tpu.memory_space<hbm>>
      %dma_start3A_68 = arith.constant 0 : i32
      %dma_start3A_69 = tpu.memref_slice %arg4[%add3A_65, %dma_start3A_68] : memref<16384x2048xf32, #tpu.memory_space<hbm>> -> memref<8x2048xf32, #tpu.memory_space<hbm>>
      tpu.enqueue_dma source(%arg8 : memref<8x2048xf32, #tpu.memory_space<vmem>>) target(%dma_start3A_69 : memref<8x2048xf32, #tpu.memory_space<hbm>>) target_semaphore(%arg12 : memref<!tpu.dma_semaphore, #tpu.memory_space<semaphore_mem>>)
      %add3A_70 = arith.constant 2 : i32
      %add3A_71 = arith.addi %add3A_51, %add3A_70 : i32
      %lt3A = arith.constant 64 : i32
      %lt3A_72 = arith.cmpi slt, %add3A_71, %lt3A : i32
      %convert_element_type3A_73 = arith.extui %lt3A_72 : i1 to i32
      %cond3A_74 = arith.constant 0 : i32
      %cond3A_75 = arith.cmpi ne, %convert_element_type3A_73, %cond3A_74 : i32
      scf.if %cond3A_75 {
        %add3A_110 = arith.constant 2 : i32
        %add3A_111 = arith.addi %add3A_51, %add3A_110 : i32
        %mul3A_112 = arith.constant 256 : i32
        %mul3A_113 = arith.muli %add3A_111, %mul3A_112 : i32
        %add3A_114 = arith.addi %mul3A_2, %mul3A_113 : i32
        %dma_start3A_115 = arith.constant 0 : i32
        %dma_start3A_116 = tpu.memref_slice %arg2[%add3A_114, %dma_start3A_115] : memref<16384x2048xf32, #tpu.memory_space<hbm>> -> memref<8x2048xf32, #tpu.memory_space<hbm>>
        %dma_start3A_117 = arith.constant 0 : i32
        %dma_start3A_118 = tpu.memref_slice %arg2[%add3A_114, %dma_start3A_117] : memref<16384x2048xf32, #tpu.memory_space<hbm>> -> memref<8x2048xf32, #tpu.memory_space<hbm>>
        tpu.enqueue_dma source(%dma_start3A_118 : memref<8x2048xf32, #tpu.memory_space<hbm>>) target(%arg6 : memref<8x2048xf32, #tpu.memory_space<vmem>>) target_semaphore(%arg10 : memref<!tpu.dma_semaphore, #tpu.memory_space<semaphore_mem>>)
      } else {
      }
      %mul3A_76 = arith.constant 2 : i32
      %mul3A_77 = arith.muli %scan3A_46, %mul3A_76 : i32
      %add3A_78 = arith.constant 1 : i32
      %add3A_79 = arith.addi %mul3A_77, %add3A_78 : i32
      %mul3A_80 = arith.constant 256 : i32
      %mul3A_81 = arith.muli %add3A_79, %mul3A_80 : i32
      %add3A_82 = arith.addi %mul3A_2, %mul3A_81 : i32
      %dma_wait3A_83 = arith.constant 0 : i32
      %dma_wait3A_84 = tpu.memref_slice %arg2[%add3A_82, %dma_wait3A_83] : memref<16384x2048xf32, #tpu.memory_space<hbm>> -> memref<8x2048xf32, #tpu.memory_space<hbm>>
      %dma_wait3A_85 = arith.constant 0 : i32
      %dma_wait3A_86 = tpu.memref_slice %arg2[%add3A_82, %dma_wait3A_85] : memref<16384x2048xf32, #tpu.memory_space<hbm>> -> memref<8x2048xf32, #tpu.memory_space<hbm>>
      tpu.wait_dma2 semaphore(%arg11 : memref<!tpu.dma_semaphore, #tpu.memory_space<semaphore_mem>>) src(%dma_wait3A_86 : memref<8x2048xf32, #tpu.memory_space<hbm>>) dst(%arg7 : memref<8x2048xf32, #tpu.memory_space<vmem>>)
      %ge3A_87 = arith.constant 2 : i32
      %ge3A_88 = arith.cmpi sge, %add3A_79, %ge3A_87 : i32
      %convert_element_type3A_89 = arith.extui %ge3A_88 : i1 to i32
      %cond3A_90 = arith.constant 0 : i32
      %cond3A_91 = arith.cmpi ne, %convert_element_type3A_89, %cond3A_90 : i32
      scf.if %cond3A_91 {
        %mul3A_110 = arith.constant 256 : i32
        %mul3A_111 = arith.muli %add3A_79, %mul3A_110 : i32
        %add3A_112 = arith.addi %mul3A_2, %mul3A_111 : i32
        %dma_wait3A_113 = arith.constant 0 : i32
        %dma_wait3A_114 = tpu.memref_slice %arg4[%add3A_112, %dma_wait3A_113] : memref<16384x2048xf32, #tpu.memory_space<hbm>> -> memref<8x2048xf32, #tpu.memory_space<hbm>>
        %dma_wait3A_115 = arith.constant 0 : i32
        %dma_wait3A_116 = tpu.memref_slice %arg4[%add3A_112, %dma_wait3A_115] : memref<16384x2048xf32, #tpu.memory_space<hbm>> -> memref<8x2048xf32, #tpu.memory_space<hbm>>
        tpu.wait_dma2 semaphore(%arg13 : memref<!tpu.dma_semaphore, #tpu.memory_space<semaphore_mem>>) src(%arg9 : memref<8x2048xf32, #tpu.memory_space<vmem>>) dst(%dma_wait3A_116 : memref<8x2048xf32, #tpu.memory_space<hbm>>)
      } else {
      }
      %parallel_loop3A_92 = arith.constant 0 : i32
      %parallel_loop3A_93 = arith.constant 128 : i32
      %parallel_loop3A_94 = arith.constant 1 : i32
      scf.for %parallel_loop3A_110 = %parallel_loop3A_92 to %parallel_loop3A_93 step %parallel_loop3A_94  : i32 {
        %parallel_loop3A_111 = arith.constant 16 : i32
        %parallel_loop3A_112 = arith.muli %parallel_loop3A_110, %parallel_loop3A_111 : i32
        %parallel_loop3A_113 = arith.index_cast %parallel_loop3A_112 : i32 to index
        %parallel_loop3A_114 = tpu.vector_load %arg5[%parallel_loop3A_113] {strides = array<i32>} : memref<2048xi32, #tpu.memory_space<vmem>>, vector<16xi32>,
        %parallel_loop3A_115 = tpu.vector_load_idx %arg7[%broadcast_in_dim3A_14, %parallel_loop3A_114] : memref<8x2048xf32, #tpu.memory_space<vmem>>[vector<16xi32>, vector<16xi32>], vector<16xf32>,
        %parallel_loop3A_116 = arith.constant 16 : i32
        %parallel_loop3A_117 = arith.muli %parallel_loop3A_110, %parallel_loop3A_116 : i32
        %parallel_loop3A_118 = arith.constant 0 : i32
        %parallel_loop3A_119 = arith.index_cast %parallel_loop3A_118 : i32 to index
        %parallel_loop3A_120 = arith.index_cast %parallel_loop3A_117 : i32 to index
        %parallel_loop3A_121 = tpu.vector_load %arg9[%parallel_loop3A_119, %parallel_loop3A_120] {strides = array<i32>} : memref<8x2048xf32, #tpu.memory_space<vmem>>, vector<16xf32>,
        tpu.vector_store %arg9[%parallel_loop3A_119, %parallel_loop3A_120], %parallel_loop3A_115 {strides = array<i32>} : memref<8x2048xf32, #tpu.memory_space<vmem>>, vector<16xf32>,
        %parallel_loop3A_122 = tpu.vector_load_idx %arg7[%broadcast_in_dim3A_16, %parallel_loop3A_114] : memref<8x2048xf32, #tpu.memory_space<vmem>>[vector<16xi32>, vector<16xi32>], vector<16xf32>,
        %parallel_loop3A_123 = arith.constant 16 : i32
        %parallel_loop3A_124 = arith.muli %parallel_loop3A_110, %parallel_loop3A_123 : i32
        %parallel_loop3A_125 = arith.constant 1 : i32
        %parallel_loop3A_126 = arith.index_cast %parallel_loop3A_125 : i32 to index
        %parallel_loop3A_127 = arith.index_cast %parallel_loop3A_124 : i32 to index
        %parallel_loop3A_128 = tpu.vector_load %arg9[%parallel_loop3A_126, %parallel_loop3A_127] {strides = array<i32>} : memref<8x2048xf32, #tpu.memory_space<vmem>>, vector<16xf32>,
        tpu.vector_store %arg9[%parallel_loop3A_126, %parallel_loop3A_127], %parallel_loop3A_122 {strides = array<i32>} : memref<8x2048xf32, #tpu.memory_space<vmem>>, vector<16xf32>,
        %parallel_loop3A_129 = tpu.vector_load_idx %arg7[%broadcast_in_dim3A_18, %parallel_loop3A_114] : memref<8x2048xf32, #tpu.memory_space<vmem>>[vector<16xi32>, vector<16xi32>], vector<16xf32>,
        %parallel_loop3A_130 = arith.constant 16 : i32
        %parallel_loop3A_131 = arith.muli %parallel_loop3A_110, %parallel_loop3A_130 : i32
        %parallel_loop3A_132 = arith.constant 2 : i32
        %parallel_loop3A_133 = arith.index_cast %parallel_loop3A_132 : i32 to index
        %parallel_loop3A_134 = arith.index_cast %parallel_loop3A_131 : i32 to index
        %parallel_loop3A_135 = tpu.vector_load %arg9[%parallel_loop3A_133, %parallel_loop3A_134] {strides = array<i32>} : memref<8x2048xf32, #tpu.memory_space<vmem>>, vector<16xf32>,
        tpu.vector_store %arg9[%parallel_loop3A_133, %parallel_loop3A_134], %parallel_loop3A_129 {strides = array<i32>} : memref<8x2048xf32, #tpu.memory_space<vmem>>, vector<16xf32>,
        %parallel_loop3A_136 = tpu.vector_load_idx %arg7[%broadcast_in_dim3A_20, %parallel_loop3A_114] : memref<8x2048xf32, #tpu.memory_space<vmem>>[vector<16xi32>, vector<16xi32>], vector<16xf32>,
        %parallel_loop3A_137 = arith.constant 16 : i32
        %parallel_loop3A_138 = arith.muli %parallel_loop3A_110, %parallel_loop3A_137 : i32
        %parallel_loop3A_139 = arith.constant 3 : i32
        %parallel_loop3A_140 = arith.index_cast %parallel_loop3A_139 : i32 to index
        %parallel_loop3A_141 = arith.index_cast %parallel_loop3A_138 : i32 to index
        %parallel_loop3A_142 = tpu.vector_load %arg9[%parallel_loop3A_140, %parallel_loop3A_141] {strides = array<i32>} : memref<8x2048xf32, #tpu.memory_space<vmem>>, vector<16xf32>,
        tpu.vector_store %arg9[%parallel_loop3A_140, %parallel_loop3A_141], %parallel_loop3A_136 {strides = array<i32>} : memref<8x2048xf32, #tpu.memory_space<vmem>>, vector<16xf32>,
        %parallel_loop3A_143 = tpu.vector_load_idx %arg7[%broadcast_in_dim3A_22, %parallel_loop3A_114] : memref<8x2048xf32, #tpu.memory_space<vmem>>[vector<16xi32>, vector<16xi32>], vector<16xf32>,
        %parallel_loop3A_144 = arith.constant 16 : i32
        %parallel_loop3A_145 = arith.muli %parallel_loop3A_110, %parallel_loop3A_144 : i32
        %parallel_loop3A_146 = arith.constant 4 : i32
        %parallel_loop3A_147 = arith.index_cast %parallel_loop3A_146 : i32 to index
        %parallel_loop3A_148 = arith.index_cast %parallel_loop3A_145 : i32 to index
        %parallel_loop3A_149 = tpu.vector_load %arg9[%parallel_loop3A_147, %parallel_loop3A_148] {strides = array<i32>} : memref<8x2048xf32, #tpu.memory_space<vmem>>, vector<16xf32>,
        tpu.vector_store %arg9[%parallel_loop3A_147, %parallel_loop3A_148], %parallel_loop3A_143 {strides = array<i32>} : memref<8x2048xf32, #tpu.memory_space<vmem>>, vector<16xf32>,
        %parallel_loop3A_150 = tpu.vector_load_idx %arg7[%broadcast_in_dim3A_24, %parallel_loop3A_114] : memref<8x2048xf32, #tpu.memory_space<vmem>>[vector<16xi32>, vector<16xi32>], vector<16xf32>,
        %parallel_loop3A_151 = arith.constant 16 : i32
        %parallel_loop3A_152 = arith.muli %parallel_loop3A_110, %parallel_loop3A_151 : i32
        %parallel_loop3A_153 = arith.constant 5 : i32
        %parallel_loop3A_154 = arith.index_cast %parallel_loop3A_153 : i32 to index
        %parallel_loop3A_155 = arith.index_cast %parallel_loop3A_152 : i32 to index
        %parallel_loop3A_156 = tpu.vector_load %arg9[%parallel_loop3A_154, %parallel_loop3A_155] {strides = array<i32>} : memref<8x2048xf32, #tpu.memory_space<vmem>>, vector<16xf32>,
        tpu.vector_store %arg9[%parallel_loop3A_154, %parallel_loop3A_155], %parallel_loop3A_150 {strides = array<i32>} : memref<8x2048xf32, #tpu.memory_space<vmem>>, vector<16xf32>,
        %parallel_loop3A_157 = tpu.vector_load_idx %arg7[%broadcast_in_dim3A_26, %parallel_loop3A_114] : memref<8x2048xf32, #tpu.memory_space<vmem>>[vector<16xi32>, vector<16xi32>], vector<16xf32>,
        %parallel_loop3A_158 = arith.constant 16 : i32
        %parallel_loop3A_159 = arith.muli %parallel_loop3A_110, %parallel_loop3A_158 : i32
        %parallel_loop3A_160 = arith.constant 6 : i32
        %parallel_loop3A_161 = arith.index_cast %parallel_loop3A_160 : i32 to index
        %parallel_loop3A_162 = arith.index_cast %parallel_loop3A_159 : i32 to index
        %parallel_loop3A_163 = tpu.vector_load %arg9[%parallel_loop3A_161, %parallel_loop3A_162] {strides = array<i32>} : memref<8x2048xf32, #tpu.memory_space<vmem>>, vector<16xf32>,
        tpu.vector_store %arg9[%parallel_loop3A_161, %parallel_loop3A_162], %parallel_loop3A_157 {strides = array<i32>} : memref<8x2048xf32, #tpu.memory_space<vmem>>, vector<16xf32>,
        %parallel_loop3A_164 = tpu.vector_load_idx %arg7[%broadcast_in_dim3A_28, %parallel_loop3A_114] : memref<8x2048xf32, #tpu.memory_space<vmem>>[vector<16xi32>, vector<16xi32>], vector<16xf32>,
        %parallel_loop3A_165 = arith.constant 16 : i32
        %parallel_loop3A_166 = arith.muli %parallel_loop3A_110, %parallel_loop3A_165 : i32
        %parallel_loop3A_167 = arith.constant 7 : i32
        %parallel_loop3A_168 = arith.index_cast %parallel_loop3A_167 : i32 to index
        %parallel_loop3A_169 = arith.index_cast %parallel_loop3A_166 : i32 to index
        %parallel_loop3A_170 = tpu.vector_load %arg9[%parallel_loop3A_168, %parallel_loop3A_169] {strides = array<i32>} : memref<8x2048xf32, #tpu.memory_space<vmem>>, vector<16xf32>,
        tpu.vector_store %arg9[%parallel_loop3A_168, %parallel_loop3A_169], %parallel_loop3A_164 {strides = array<i32>} : memref<8x2048xf32, #tpu.memory_space<vmem>>, vector<16xf32>,
      } {sc.loop_unroll_factor = 8 : i64, sc.parallel_access}
      %mul3A_95 = arith.constant 256 : i32
      %mul3A_96 = arith.muli %add3A_79, %mul3A_95 : i32
      %add3A_97 = arith.addi %mul3A_2, %mul3A_96 : i32
      %dma_start3A_98 = arith.constant 0 : i32
      %dma_start3A_99 = tpu.memref_slice %arg4[%add3A_97, %dma_start3A_98] : memref<16384x2048xf32, #tpu.memory_space<hbm>> -> memref<8x2048xf32, #tpu.memory_space<hbm>>
      %dma_start3A_100 = arith.constant 0 : i32
      %dma_start3A_101 = tpu.memref_slice %arg4[%add3A_97, %dma_start3A_100] : memref<16384x2048xf32, #tpu.memory_space<hbm>> -> memref<8x2048xf32, #tpu.memory_space<hbm>>
      tpu.enqueue_dma source(%arg9 : memref<8x2048xf32, #tpu.memory_space<vmem>>) target(%dma_start3A_101 : memref<8x2048xf32, #tpu.memory_space<hbm>>) target_semaphore(%arg13 : memref<!tpu.dma_semaphore, #tpu.memory_space<semaphore_mem>>)
      %add3A_102 = arith.constant 2 : i32
      %add3A_103 = arith.addi %add3A_79, %add3A_102 : i32
      %lt3A_104 = arith.constant 64 : i32
      %lt3A_105 = arith.cmpi slt, %add3A_103, %lt3A_104 : i32
      %convert_element_type3A_106 = arith.extui %lt3A_105 : i1 to i32
      %cond3A_107 = arith.constant 0 : i32
      %cond3A_108 = arith.cmpi ne, %convert_element_type3A_106, %cond3A_107 : i32
      scf.if %cond3A_108 {
        %add3A_110 = arith.constant 2 : i32
        %add3A_111 = arith.addi %add3A_79, %add3A_110 : i32
        %mul3A_112 = arith.constant 256 : i32
        %mul3A_113 = arith.muli %add3A_111, %mul3A_112 : i32
        %add3A_114 = arith.addi %mul3A_2, %mul3A_113 : i32
        %dma_start3A_115 = arith.constant 0 : i32
        %dma_start3A_116 = tpu.memref_slice %arg2[%add3A_114, %dma_start3A_115] : memref<16384x2048xf32, #tpu.memory_space<hbm>> -> memref<8x2048xf32, #tpu.memory_space<hbm>>
        %dma_start3A_117 = arith.constant 0 : i32
        %dma_start3A_118 = tpu.memref_slice %arg2[%add3A_114, %dma_start3A_117] : memref<16384x2048xf32, #tpu.memory_space<hbm>> -> memref<8x2048xf32, #tpu.memory_space<hbm>>
        tpu.enqueue_dma source(%dma_start3A_118 : memref<8x2048xf32, #tpu.memory_space<hbm>>) target(%arg7 : memref<8x2048xf32, #tpu.memory_space<vmem>>) target_semaphore(%arg11 : memref<!tpu.dma_semaphore, #tpu.memory_space<semaphore_mem>>)
      } else {
      }
      %scan3A_109 = arith.constant 0 : i32
      scf.yield %scan3A_109 : i32
    }
    %scan3A_34 = arith.constant 32 : i32
    %add3A_35 = arith.constant 15872 : i32
    %add3A_36 = arith.addi %mul3A_2, %add3A_35 : i32
    %dma_wait3A = arith.constant 0 : i32
    %dma_wait3A_37 = tpu.memref_slice %arg4[%add3A_36, %dma_wait3A] : memref<16384x2048xf32, #tpu.memory_space<hbm>> -> memref<8x2048xf32, #tpu.memory_space<hbm>>
    %dma_wait3A_38 = arith.constant 0 : i32
    %dma_wait3A_39 = tpu.memref_slice %arg4[%add3A_36, %dma_wait3A_38] : memref<16384x2048xf32, #tpu.memory_space<hbm>> -> memref<8x2048xf32, #tpu.memory_space<hbm>>
    tpu.wait_dma2 semaphore(%arg12 : memref<!tpu.dma_semaphore, #tpu.memory_space<semaphore_mem>>) src(%arg8 : memref<8x2048xf32, #tpu.memory_space<vmem>>) dst(%dma_wait3A_39 : memref<8x2048xf32, #tpu.memory_space<hbm>>)
    %add3A_40 = arith.constant 16128 : i32
    %add3A_41 = arith.addi %mul3A_2, %add3A_40 : i32
    %dma_wait3A_42 = arith.constant 0 : i32
    %dma_wait3A_43 = tpu.memref_slice %arg4[%add3A_41, %dma_wait3A_42] : memref<16384x2048xf32, #tpu.memory_space<hbm>> -> memref<8x2048xf32, #tpu.memory_space<hbm>>
    %dma_wait3A_44 = arith.constant 0 : i32
    %dma_wait3A_45 = tpu.memref_slice %arg4[%add3A_41, %dma_wait3A_44] : memref<16384x2048xf32, #tpu.memory_space<hbm>> -> memref<8x2048xf32, #tpu.memory_space<hbm>>
    tpu.wait_dma2 semaphore(%arg13 : memref<!tpu.dma_semaphore, #tpu.memory_space<semaphore_mem>>) src(%arg9 : memref<8x2048xf32, #tpu.memory_space<vmem>>) dst(%dma_wait3A_45 : memref<8x2048xf32, #tpu.memory_space<hbm>>)
    return
  }
}

</mosaic_0001>

<sc_bundles>
// kernel: kernel.3.cloned.1.call-start
scs
__scs_entry_jumppad:
0x0: {  	(pc) =	sbr.rel $0x88, $3  }
0x1: {  	(tag) =	ssettag $0x0;
	lr =	simm.s32 $0x1  }
0x2: {  	[smem:$0x3F9F] =	sst lr;
	_ =	strace $0xD0000000  }
0x3: {  	_ = 	snop  }
0x4: {  	_ = 	snop  }
0x5: {  	_ = 	snop  }
0x6: {  	_ = 	snop  }
0x7: {  	_ = 	snop  }
__scs_overlays_trampoline_lowered:
0x8: {  	[smem:$0x3FAE] =	sst s0  }
0x9: {  	[smem:$0x3FAF] =	sst s1  }
0xa: {  	[smem:$0x3FB0] =	sst s2  }
0xb: {  	[smem:$0x3FB1] =	sst s3  }
0xc: {  	[smem:$0x3FB2] =	sst s4  }
0xd: {  	[smem:$0x3FB3] =	sst s5  }
0xe: {  	[smem:$0x3FB4] =	sst s6  }
0xf: {  	[smem:$0x3FB5] =	sst s7  }
0x10: {  	[smem:$0x3FB6] =	sst s8  }
0x11: {  	[smem:$0x3FB7] =	sst s9;
	s0 =	simm.s32 @!p0 $0x0  }
0x12: {  	s1 =	sld [smem:$0x3F9D];
	s0 =	simm.s32 @p0 $0x1  }
0x13: {  	[smem:$0x3FB8] =	sst s0;
	s0 =	simm.s32 @!p1 $0x0  }
0x14: {  	s2 =	sld [smem:$0x3F9C];
	s0 =	simm.s32 @p1 $0x1  }
0x15: {  	[smem:$0x3FB9] =	sst s0;
	s0 =	simm.s32 @!p2 $0x0  }
0x16: {  	s3 =	sld [smem:$0x3FDB];
	s0 =	simm.s32 @p2 $0x1  }
0x17: {  	s4 =	simm.s32 $0x1BF5;
	[smem:$0x3FBB] =	sst s0  }
0x18: {  	s0 =	sld [smem:$0x3F9E];
	_ =	swait.ge [sflag:s4], $0x0  }
0x19: {  	s7 =	sld [smem:$0x3F9F]  }
0x1a: {  	s8 =	sadd.s32 $0xFFFFE003, lr  }
0x1b: {  	s9 =	sadd.s32 $0xFFFFFEF7, lr;
	s5 =	simm.s32 $0xFFFFFFFF;
	p2 =	slt.u32 s8, $0xFFFFF086  }
0x1c: {  	p1 =	slt.u32 s9, $0xF7A;
	s5 =	simm.s32 @!p2 $0x0  }
0x1d: {  	s5 =	simm.s32 @p1 $0x1;
	p0 =	seq.s32 s7, s2  }
0x1e: {  	s7 =	smul.u32 @!p0 $0xF7A, s2;
	p2 =	seq.s32 @!p0 s5, $0x0  }
0x1f: {  	s9 =	smul.u32 $0xF7A, s1;
	s8 =	simm.s32 @!p0 $0x1BF5;
	p2 =	por !p2, p0  }
0x20: {  	[sflag:s8] =	ssyncset.s32 @!p0 $0xFFFFF086;
	s6 =	sadd.s32 @!p0 s3, s7;
	s7 =	simm.s32 @!p0 $0x108  }
0x21: {  	s3 =	sadd.s32 s3, s9;
	s6 =	sadd.s32 @!p0 $0x88, s6;
	s7 =	simm.s32 @p2 $0x1082  }
0x22: {  	[simem:s7], [sflag:s8] =	dma.local @!p0 [hbm:s6], $0xF7A  }
0x23: {  	s9 =	sor.u32 $0xD0000000, s2;
	s6 =	simm.s32 $0x108;
	_ =	swait.ge @!p0 [sflag:s8], $0x0  }
0x24: {  	s3 =	sadd.s32 $0x88, s3;
	s6 =	simm.s32 @!p1 $0x1082;
	[sflag:s4] =	ssyncset.s32 $0xFFFFF086  }
0x25: {  	[simem:s6], [sflag:s4] =	dma.local [hbm:s3], $0xF7A  }
0x26: {  	[smem:$0x3F9F] =	sst s1;
	(tag) =	ssettag s2;
	_ =	strace s9  }
0x27: {  	s1 =	sld [smem:$0x3FAF]  }
0x28: {  	s2 =	sld [smem:$0x3FB0]  }
0x29: {  	s4 =	sld [smem:$0x3FB2]  }
0x2a: {  	p0 =	seq.s32 s5, $0x0;
	s5 =	sld [smem:$0x3FB3]  }
0x2b: {  	s6 =	sld [smem:$0x3FB4]  }
0x2c: {  	s7 =	sld [smem:$0x3FB5]  }
0x2d: {  	s3 =	simm.s32 $0x108;
	s8 =	sld [smem:$0x3FB6]  }
0x2e: {  	s3 =	simm.s32 @!p0 $0x1082;
	s9 =	sld [smem:$0x3FB7]  }
0x2f: {  	lr =	sadd.s32 s0, s3;
	s0 =	sld [smem:$0x3FAE]  }
0x30: {  	s3 =	sld [smem:$0x3FB1]  }
0x31: {  	[smem:$0x3FBA] =	sst s10  }
0x32: {  	s10 =	sld [smem:$0x3FB8];
	_ =	sdelay $0x3  }
0x33: {  	p0 =	seq.s32 s10, $0x1;
	s10 =	sld [smem:$0x3FBA];
	_ =	sdelay $0x3  }
0x34: {  	[smem:$0x3FBA] =	sst s10  }
0x35: {  	s10 =	sld [smem:$0x3FB9];
	_ =	sdelay $0x3  }
0x36: {  	p1 =	seq.s32 s10, $0x1;
	s10 =	sld [smem:$0x3FBA];
	_ =	sdelay $0x3  }
0x37: {  	[smem:$0x3FBA] =	sst s10  }
0x38: {  	s10 =	sld [smem:$0x3FBB]  }
0x39: {  	_ = 	snop;
	(pc) =	sbr.ind lr, $3  }
0x3a: {  	_ = 	snop  }
0x3b: {  	_ = 	snop  }
0x3c: {  	p2 =	seq.s32 s10, $0x1;
	s10 =	sld [smem:$0x3FBA]  }
0x3d: {  	_ =	shalt  }
0x3e: {  	_ =	shalt  }
0x3f: {  	_ =	shalt  }
0x40: {  	_ =	shalt  }
0x41: {  	_ =	shalt  }
0x42: {  	_ =	shalt  }
0x43: {  	_ =	shalt  }
0x44: {  	_ =	shalt  }
0x45: {  	_ =	shalt  }
0x46: {  	_ =	shalt  }
0x47: {  	_ =	shalt  }
0x48: {  	_ =	shalt  }
0x49: {  	_ =	shalt  }
0x4a: {  	_ =	shalt  }
0x4b: {  	_ =	shalt  }
0x4c: {  	_ =	shalt  }
0x4d: {  	_ =	shalt  }
0x4e: {  	_ =	shalt  }
0x4f: {  	_ =	shalt  }
0x50: {  	_ =	shalt  }
0x51: {  	_ =	shalt  }
0x52: {  	_ =	shalt  }
0x53: {  	_ =	shalt  }
0x54: {  	_ =	shalt  }
0x55: {  	_ =	shalt  }
0x56: {  	_ =	shalt  }
0x57: {  	_ =	shalt  }
0x58: {  	_ =	shalt  }
0x59: {  	_ =	shalt  }
0x5a: {  	_ =	shalt  }
0x5b: {  	_ =	shalt  }
0x5c: {  	_ =	shalt  }
0x5d: {  	_ =	shalt  }
0x5e: {  	_ =	shalt  }
0x5f: {  	_ =	shalt  }
0x60: {  	_ =	shalt  }
0x61: {  	_ =	shalt  }
0x62: {  	_ =	shalt  }
0x63: {  	_ =	shalt  }
0x64: {  	_ =	shalt  }
0x65: {  	_ =	shalt  }
0x66: {  	_ =	shalt  }
0x67: {  	_ =	shalt  }
0x68: {  	_ =	shalt  }
0x69: {  	_ =	shalt  }
0x6a: {  	_ =	shalt  }
0x6b: {  	_ =	shalt  }
0x6c: {  	_ =	shalt  }
0x6d: {  	_ =	shalt  }
0x6e: {  	_ =	shalt  }
0x6f: {  	_ =	shalt  }
0x70: {  	_ =	shalt  }
0x71: {  	_ =	shalt  }
0x72: {  	_ =	shalt  }
0x73: {  	_ =	shalt  }
0x74: {  	_ =	shalt  }
0x75: {  	_ =	shalt  }
0x76: {  	_ =	shalt  }
0x77: {  	_ =	shalt  }
0x78: {  	_ =	shalt  }
0x79: {  	_ =	shalt  }
0x7a: {  	_ =	shalt  }
0x7b: {  	_ =	shalt  }
0x7c: {  	_ =	shalt  }
0x7d: {  	_ =	shalt  }
0x7e: {  	_ =	shalt  }
0x7f: {  	_ =	shalt  }
0x80: {  	_ =	shalt  }
0x81: {  	_ =	shalt  }
0x82: {  	_ =	shalt  }
0x83: {  	_ =	shalt  }
0x84: {  	_ =	shalt  }
0x85: {  	_ =	shalt  }
0x86: {  	_ =	shalt  }
0x87: {  	_ =	shalt  }
.Lfunc_end0:
.L_simem_size_0:
called_computation_lowered:
.L_overlay_start_0:
0x88: {  	s2 =	sld [smem:$0x3FD9]  }
0x89: {  	s3 =	sld [smem:$0x3FFE];
	_ =	sdelay $0x1  }
0x8a: {  	s1 =	srdreg.scid  }
0x8b: {  	s0 =	sand.u32 $0x1, s1  }
0x8c: {  	s18 =	sshll.u32 s0, $0xA;
	s2 =	sadd.s32 s3, s2  }
0x8d: {  	s2 =	sadd.s32 s2, s18  }
0x8e: {  	[smem:$0x3FC6] =	sst s2  }
0x8f: {  	_ = 	snop  }
0x90: {  	s2 =	sld [smem:$0x3FC9]  }
0x91: {  	s19 =	sld [smem:$0x3FC8]  }
0x92: {  	s4 =	sld [smem:$0x3FD0];
	(tm) =	ssettm $0x1  }
0x93: {  	s5 =	sld [smem:$0x3FFB];
	_ =	sdelay $0x3  }
0x94: {  	_ =	strace s5  }
0x95: {  	s5 =	sld [smem:$0x3FFC];
	_ =	sdelay $0x3  }
0x96: {  	_ =	strace s5  }
0x97: {  	s5 =	sld [smem:$0x3FFD];
	_ =	sdelay $0x3  }
0x98: {  	_ =	strace s5  }
0x99: {  	_ =	strace $0x8FFFFFFF  }
0x9a: {  	s20 =	sld [smem:$0x3FDB];
	_ =	sdelay $0x1  }
0x9b: {  	s6 =	simm.s32 $_scs_section_size  }
0x9c: {  	s7 =	simm.s32 $_size__tile_overlayer_lowered;
	s8 =	simm.s32 $_tile_overlayer_lowered  }
0x9d: {  	s23 =	simm.s32 $0x1BFF;
	s22 =	sshll.u32 s8, $0x1;
	s5 =	sadd.s32 s6, s20  }
0x9e: {  	s9 =	simm.s32 $0x0;
	s21 =	sshll.u32 s7, $0x1;
	s7 =	sadd.s32 s22, s5  }
0x9f: {  	[timem:s9], [sflag:s23] =	dma.local [hbm:s7], s21  }
0xa0: {  	_ =	swait.ge [sflag:s23], s21  }
0xa1: {  	s6 =	ssub.s32 $0x0, s21;
	[sflag:s23] =	ssyncset.done $0x0  }
0xa2: {  	[sflag:s23] =	ssyncadd.s32 s6;
	_ =	sdelay $0x1  }
0xa3: {  	s24 =	simm.s32 $0x1B8B  }
0xa4: {  	_ =	swait.ge [sflag:s24], $0x1  }
0xa5: {  	[sflag:s24] =	ssyncset.done $0x0  }
0xa6: {  	s25 =	simm.s32 $0x1B8E;
	[sflag:s24] =	ssyncadd.s32 $0xFFFFFFFF  }
0xa7: {  	s26 =	simm.s32 $execute0_lowered;
	[smem:$0x3FD2] =	sst s25  }
0xa8: {  	s6 =	sshll.u32 s26, $0x1;
	_ =	strace $0x80000046;
	[dreg:$0x1] =	wrdreg $0xFFFFFFFF  }
0xa9: {  	s28 =	simm.s32 $_size_execute0_lowered;
	s5 =	sadd.s32 s5, s6;
	[dreg:$0x0] =	wrdreg $0x0  }
0xaa: {  	s6 =	sshll.u32 s28, $0x1;
	[dreg:$0x2] =	wrdreg s5  }
0xab: {  	[dreg:$0x3] =	wrdreg s6  }
0xac: {  	[dreg:$0x4] =	wrdreg $0xC0  }
0xad: {  	_ =	task [dreg:s9], $0x5FFFF  }
0xae: {  	[dreg:$0x1] =	wrdreg $0xFFFFFFFF  }
0xaf: {  	[dreg:$0x0] =	wrdreg $0x60  }
0xb0: {  	[dreg:$0x2] =	wrdreg s2  }
0xb1: {  	[dreg:$0x3] =	wrdreg s19  }
0xb2: {  	[dreg:$0x4] =	wrdreg s4  }
0xb3: {  	[dreg:$0x5] =	wrdreg $0x9  }
0xb4: {  	_ =	task.clear_ibuf [dreg:s9], $0x6FFFF;
	_ =	strace $0x90000046  }
0xb5: {  	s29 =	simm.s32 $0x9;
	_ =	strace $0x80000048  }
0xb6: {  	_ =	swait.ge [sflag:s29], $0x1  }
0xb7: {  	[sflag:s29] =	ssyncadd.s32 $0xFFFFFFFF  }
0xb8: {  	_ =	strace $0x90000048  }
0xb9: {  	_ =	sfence  }
0xba: {  	s30 =	sld [smem:$0x0];
	_ =	sdelay $0x2  }
0xbb: {  	s31 =	sshll.u32 s1, $0xD;
	s1 =	sshrl.u32 s1, $0x2  }
0xbc: {  	s3 =	sand.u32 $0x4000, s31;
	s1 =	sadd.s32 s1, s30  }
0xbd: {  	s0 =	sor.u32 s3, s0;
	s1 =	sshll.u32 s1, $0x11  }
0xbe: {  	s0 =	sor.u32 s1, s0  }
0xbf: {  	s0 =	sadd.s32 $0x8F2B, s0  }
0xc0: {  	[sflag:s0] =	ssyncadd.remote.s32 $0x1  }
0xc1: {  	_ =	sfence.sel $0xFFFF  }
0xc2: {  	[dreg:$0x0] =	wrdreg $0xFFFFFFFF;
	(pc) =	sbr.abs _section_cstart, $3  }
0xc3: {  	[dreg:$0x1] =	wrdreg $0xFFFFFFFF  }
0xc4: {  	_ =	task.clear_ibuf [dreg:s9], $0x2FFFF;
	_ =	strace $0x9FFFFFFF  }
0xc5: {  	(tm) =	ssettm $0x7FFFFFFF  }
tec
execute0_lowered:
.L_overlay_start_1:
0x0: {  	(tag) =	ssettag $0x1  }
0x1: {  	s5 =	rddreg [dreg:$0x0]  }
0x2: {  	s2 =	rddreg [dreg:$0x1]  }
0x3: {  	s0 =	srdreg.scid;
	s3 =	rddreg [dreg:$0x2]  }
0x4: {  	s1 =	stileid.u32;
	s4 =	simm.s32 $0x0;
	s12 =	simm.s32 $0x800  }
0x5: {  	s13 =	simm.s32 $0x4800;
	s14 =	simm.s32 $0x5;
	s15 =	simm.s32 $0x1  }
0x6: {  	s16 =	simm.s32 $0x8800;
	s17 =	simm.s32 $0x2;
	s18 =	simm.s32 $0x4  }
0x7: {  	s19 =	simm.s32 $0xC800;
	s20 =	simm.s32 $0x3;
	s21 =	simm.s32 $0x0  }
0x8: {  	s6 =	sand.u32 $0x1, s0;
	s0 =	rddreg [dreg:$0x3];
	s8 =	sshll.u32 s1, $0xB  }
.Ltmp0:
0x9: {  	s7 =	sshll.u32 s6, $0xF;
	s6 =	ssub.s32 $0x2, s6;
	(pc) =	sbr.rel .LBB2_1-.Ltmp0, $4  }
0xa: {  	[smem:$0x7FF] =	sst s4;
	s11 =	sor.u32 s8, s7;
	s31 =	sshrl.u32 s6, $0x1  }
0xb: {  	_ =	strace $0x80000047;
	s5 =	sadd.s32 s5, s11;
	s10 =	ssub.s32 s6, s31  }
0xc: {  	s7 =	sadd.s32 s3, s11;
	s11 =	sor.u32 $0x10000, s11;
	s6 =	sadd.s32 $0x10000, s5  }
0xd: {  	s8 =	sadd.s32 $0x20000, s5;
	s9 =	sadd.s32 $0x30000, s5;
	s10 =	smax.u32 s10, $0x1  }
.LBB2_12:
0xe: {  	s21 =	sadd.s32 $0x1, s21  }
0xf: {  	_ =	swait.ge [sflag:s20], $0x4000;
	p0 =	sne.s32 s21, s10  }
.Ltmp1:
0x10: {  	[sflag:s20] =	ssyncset.done $0x0;
	(pc) =	sbr.rel @!p0 .LBB2_13-.Ltmp1, $4  }
0x11: {  	[sflag:s20] =	ssyncadd.s32 $0xFFFFC000  }
0x12: {  	_ =	swait.ge [sflag:s18], $0x4000  }
0x13: {  	[sflag:s18] =	ssyncset.done $0x0  }
0x14: {  	[sflag:s18] =	ssyncadd.s32 $0xFFFFC000  }
.LBB2_1:
0x15: {  	[tilespmem:s12], [sflag:$0x1] =	stream.linear.gather [hbm4b:s5+s4], $0x4000, $0x38;
	[tilespmem:$0x10800] =	vst v63  }
0x16: {  	_ = 	snop  }
0x17: {  	[tilespmem:s13], [sflag:$0x2] =	stream.linear.gather [hbm4b:s6+s4], $0x4000, $0x38;
	[tilespmem:$0x10800] =	vst v63  }
0x18: {  	_ = 	snop  }
0x19: {  	[tilespmem:s4], [sflag:$0x5] =	stream.linear.gather [hbm4b:s2+s4], $0x800, $0x38;
	[tilespmem:$0x10800] =	vst v63  }
0x1a: {  	_ =	swait.ge [sflag:s14], $0x800  }
0x1b: {  	[sflag:s14] =	ssyncset.done $0x0  }
0x1c: {  	s22 =	simm.s32 $0x0;
	[sflag:s14] =	ssyncadd.s32 $0xFFFFF800  }
.LBB2_2:
0x1d: {  	_ =	swait.ge [sflag:s15], $0x4000  }
0x1e: {  	p0 =	seq.s32 s22, $0x0;
	[sflag:s15] =	ssyncset.done $0x0  }
0x1f: {  	s23 =	simm.s32 @!p0 $0x3;
	[sflag:s15] =	ssyncadd.s32 $0xFFFFC000  }
0x20: {  	_ =	swait.ge @!p0 [sflag:s23], $0x4000  }
0x21: {  	[sflag:s23] =	ssyncset.done @!p0 $0x0  }
0x22: {  	s31 =	simm.s32 $0x40;
	[sflag:s23] =	ssyncadd.s32 @!p0 $0xFFFFC000  }
0x23: {  	v0 =	vld [tilespmem:s31+$0x30]  }
0x24: {  	v1 =	vld [tilespmem:s31+$0xFFFFFFD0]  }
0x25: {  	v6 =	vld [tilespmem:s31+$0xFFFFFFF0]  }
0x26: {  	v3 =	vld [tilespmem:s31+$0xFFFFFFE0]  }
0x27: {  	v5 =	vld [tilespmem:s31+$0xFFFFFFC0]  }
0x28: {  	v2 =	vshll.u32 v0, $0x3  }
0x29: {  	v0 =	vand.u32 $0x7F, v0;
	v2 =	vand.u32 $0xFFFFFC00, v2  }
0x2a: {  	v13 =	vshll.u32 v6, $0x3;
	v4 =	vor.u32 v0, v2;
	v0 =	vshll.u32 v1, $0x3  }
0x2b: {  	v6 =	vand.u32 $0x7F, v6;
	v2 =	vand.u32 $0xFFFFFC00, v0;
	v0 =	vshll.u32 v3, $0x3  }
0x2c: {  	v8 =	vld [tilespmem:s31+$0x10];
	v1 =	vand.u32 $0x7F, v1;
	v9 =	vand.u32 $0xFFFFFC00, v0;
	v0 =	vshll.u32 v5, $0x3  }
0x2d: {  	v7 =	vld [tilespmem:s31+$0x0];
	v5 =	vand.u32 $0x7F, v5;
	v2 =	vor.u32 v1, v2;
	v0 =	vand.u32 $0xFFFFFC00, v0  }
0x2e: {  	v3 =	vand.u32 $0x7F, v3;
	v0 =	vor.u32 v5, v0;
	v5 =	vand.u32 $0xFFFFFC00, v13  }
0x2f: {  	v1 =	vor.u32 v3, v9;
	v10 =	vld.idx.msk [tilespmem:v4+s12+$0x0], $0xffff;
	v3 =	vor.u32 v6, v5  }
0x30: {  	v12 =	vld [tilespmem:s31+$0x20];
	v11 =	vor.u32 $0x80, v4  }
0x31: {  	v9 =	vshll.u32 v8, $0x3  }
0x32: {  	v13 =	vshll.u32 v7, $0x3;
	v5 =	vand.u32 $0xFFFFFC00, v9;
	v9 =	vld.idx.msk [tilespmem:v2+s12+$0x0], $0xffff  }
0x33: {  	s24 =	simm.s32 $0x8A00;
	v15 =	vor.u32 $0x80, v2;
	v7 =	vand.u32 $0x7F, v7;
	v13 =	vand.u32 $0xFFFFFC00, v13  }
0x34: {  	v6 =	vand.u32 $0x7F, v8;
	[tilespmem:s24+$0xFFFFFE70] =	vst v10;
	v10 =	vor.u32 v7, v13;
	v14 =	vld.idx.msk [tilespmem:v3+s12+$0x0], $0xffff  }
0x35: {  	v8 =	vshll.u32 v12, $0x3;
	v7 =	vld.idx.msk [tilespmem:v11+s12+$0x0], $0xffff;
	v11 =	vor.u32 v6, v5  }
0x36: {  	v13 =	vor.u32 $0x100, v4;
	v5 =	vld.idx.msk [tilespmem:v0+s12+$0x0], $0xffff;
	v6 =	vand.u32 $0xFFFFFC00, v8;
	v8 =	vand.u32 $0x7F, v12  }
0x37: {  	v12 =	vor.u32 v8, v6;
	v6 =	vld.idx.msk [tilespmem:v1+s12+$0x0], $0xffff;
	v8 =	vor.u32 $0x80, v0;
	[tilespmem:s24+$0xFFFFFE10] =	vst v9  }
0x38: {  	v15 =	vld.idx.msk [tilespmem:v15+s12+$0x0], $0xffff  }
0x39: {  	v17 =	vor.u32 $0x80, v1;
	v16 =	vld.idx.msk [tilespmem:v10+s12+$0x0], $0xffff  }
0x3a: {  	v18 =	vld.idx.msk [tilespmem:v11+s12+$0x0], $0xffff;
	[tilespmem:s24+$0xFFFFFEF0] =	vst v7;
	v7 =	vor.u32 $0x80, v3  }
0x3b: {  	[tilespmem:s24+$0xFFFFFE00] =	vst v5;
	v5 =	vld.idx.msk [tilespmem:v13+s12+$0x0], $0xffff;
	v13 =	vor.u32 $0x80, v10  }
0x3c: {  	v19 =	vor.u32 $0x80, v11;
	[tilespmem:s24+$0xFFFFFE30] =	vst v14;
	v8 =	vld.idx.msk [tilespmem:v8+s12+$0x0], $0xffff  }
0x3d: {  	v9 =	vld.idx.msk [tilespmem:v12+s12+$0x0], $0xffff;
	[tilespmem:s24+$0xFFFFFE20] =	vst v6;
	v6 =	vor.u32 $0x180, v4  }
0x3e: {  	v14 =	vor.u32 $0x80, v12;
	v17 =	vld.idx.msk [tilespmem:v17+s12+$0x0], $0xffff;
	[tilespmem:s24+$0xFFFFFE40] =	vst v16  }
0x3f: {  	v16 =	vor.u32 $0x100, v0;
	v7 =	vld.idx.msk [tilespmem:v7+s12+$0x0], $0xffff;
	[tilespmem:s24+$0xFFFFFE50] =	vst v18  }
0x40: {  	v18 =	vor.u32 $0x100, v2;
	v13 =	vld.idx.msk [tilespmem:v13+s12+$0x0], $0xffff;
	[tilespmem:s24+$0xFFFFFF70] =	vst v5  }
0x41: {  	v5 =	vor.u32 $0x100, v1;
	[tilespmem:s24+$0xFFFFFE80] =	vst v8;
	v8 =	vld.idx.msk [tilespmem:v19+s12+$0x0], $0xffff  }
0x42: {  	[tilespmem:s24+$0xFFFFFE60] =	vst v9;
	v9 =	vor.u32 $0x100, v3;
	v6 =	vld.idx.msk [tilespmem:v6+s12+$0x0], $0xffff  }
0x43: {  	[tilespmem:s24+$0xFFFFFE90] =	vst v15;
	v19 =	vor.u32 $0x100, v10;
	v14 =	vld.idx.msk [tilespmem:v14+s12+$0x0], $0xffff  }
0x44: {  	[tilespmem:s24+$0xFFFFFEA0] =	vst v17;
	v17 =	vor.u32 $0x100, v11;
	v16 =	vld.idx.msk [tilespmem:v16+s12+$0x0], $0xffff  }
0x45: {  	v15 =	vor.u32 $0x200, v4;
	v18 =	vld.idx.msk [tilespmem:v18+s12+$0x0], $0xffff;
	[tilespmem:s24+$0xFFFFFEB0] =	vst v7  }
0x46: {  	v7 =	vor.u32 $0x100, v12;
	v5 =	vld.idx.msk [tilespmem:v5+s12+$0x0], $0xffff;
	[tilespmem:s24+$0xFFFFFEC0] =	vst v13  }
0x47: {  	v13 =	vor.u32 $0x180, v0;
	v9 =	vld.idx.msk [tilespmem:v9+s12+$0x0], $0xffff;
	[tilespmem:s24+$0xFFFFFED0] =	vst v8  }
0x48: {  	[tilespmem:s24+$0xFFFFFFF0] =	vst v6;
	v6 =	vor.u32 $0x180, v2;
	v19 =	vld.idx.msk [tilespmem:v19+s12+$0x0], $0xffff  }
0x49: {  	[tilespmem:s24+$0xFFFFFEE0] =	vst v14;
	v14 =	vld.idx.msk [tilespmem:v17+s12+$0x0], $0xffff;
	v17 =	vor.u32 $0x180, v3  }
0x4a: {  	v8 =	vld.idx.msk [tilespmem:v15+s12+$0x0], $0xffff;
	v15 =	vor.u32 $0x180, v1;
	[tilespmem:s24+$0xFFFFFF00] =	vst v16  }
0x4b: {  	v16 =	vor.u32 $0x280, v4;
	[tilespmem:s24+$0xFFFFFF10] =	vst v18;
	v7 =	vld.idx.msk [tilespmem:v7+s12+$0x0], $0xffff  }
0x4c: {  	v18 =	vor.u32 $0x180, v10;
	v13 =	vld.idx.msk [tilespmem:v13+s12+$0x0], $0xffff;
	[tilespmem:s24+$0xFFFFFF20] =	vst v5  }
0x4d: {  	v5 =	vor.u32 $0x180, v11;
	[tilespmem:s24+$0xFFFFFF30] =	vst v9;
	v6 =	vld.idx.msk [tilespmem:v6+s12+$0x0], $0xffff  }
0x4e: {  	v9 =	vor.u32 $0x180, v12;
	[tilespmem:s24+$0xFFFFFF40] =	vst v19;
	v17 =	vld.idx.msk [tilespmem:v17+s12+$0x0], $0xffff  }
0x4f: {  	v15 =	vld.idx.msk [tilespmem:v15+s12+$0x0], $0xffff;
	[tilespmem:s24+$0x70] =	vst v8;
	v8 =	vor.u32 $0x200, v0  }
0x50: {  	v19 =	vor.u32 $0x200, v2;
	[tilespmem:s24+$0xFFFFFF50] =	vst v14;
	v16 =	vld.idx.msk [tilespmem:v16+s12+$0x0], $0xffff  }
0x51: {  	v14 =	vld.idx.msk [tilespmem:v18+s12+$0x0], $0xffff;
	[tilespmem:s24+$0xFFFFFF60] =	vst v7;
	v7 =	vor.u32 $0x300, v4  }
0x52: {  	v18 =	vor.u32 $0x200, v1;
	[tilespmem:s24+$0xFFFFFF80] =	vst v13;
	v5 =	vld.idx.msk [tilespmem:v5+s12+$0x0], $0xffff  }
0x53: {  	v13 =	vor.u32 $0x200, v3;
	[tilespmem:s24+$0xFFFFFF90] =	vst v6;
	v6 =	vld.idx.msk [tilespmem:v9+s12+$0x0], $0xffff  }
0x54: {  	v9 =	vor.u32 $0x200, v10;
	v8 =	vld.idx.msk [tilespmem:v8+s12+$0x0], $0xffff;
	[tilespmem:s24+$0xFFFFFFA0] =	vst v15  }
0x55: {  	v15 =	vor.u32 $0x200, v11;
	v19 =	vld.idx.msk [tilespmem:v19+s12+$0x0], $0xffff;
	[tilespmem:s24+$0xF0] =	vst v16  }
0x56: {  	[tilespmem:s24+$0xFFFFFFB0] =	vst v17;
	v16 =	vor.u32 $0x200, v12;
	v7 =	vld.idx.msk [tilespmem:v7+s12+$0x0], $0xffff  }
0x57: {  	v17 =	vor.u32 $0x280, v0;
	v18 =	vld.idx.msk [tilespmem:v18+s12+$0x0], $0xffff;
	[tilespmem:s24+$0xFFFFFFC0] =	vst v14  }
0x58: {  	v4 =	vor.u32 $0x380, v4;
	v13 =	vld.idx.msk [tilespmem:v13+s12+$0x0], $0xffff;
	[tilespmem:s24+$0xFFFFFFD0] =	vst v5  }
0x59: {  	v5 =	vor.u32 $0x280, v2;
	v9 =	vld.idx.msk [tilespmem:v9+s12+$0x0], $0xffff;
	[tilespmem:s24+$0xFFFFFFE0] =	vst v6  }
0x5a: {  	v6 =	vor.u32 $0x280, v1;
	[tilespmem:s24+$0x0] =	vst v8;
	v8 =	vld.idx.msk [tilespmem:v15+s12+$0x0], $0xffff  }
0x5b: {  	v14 =	vor.u32 $0x280, v3;
	[tilespmem:s24+$0x10] =	vst v19;
	v15 =	vld.idx.msk [tilespmem:v16+s12+$0x0], $0xffff  }
0x5c: {  	v16 =	vor.u32 $0x280, v10;
	v17 =	vld.idx.msk [tilespmem:v17+s12+$0x0], $0xffff;
	[tilespmem:s24+$0x170] =	vst v7  }
0x5d: {  	v7 =	vor.u32 $0x280, v11;
	[tilespmem:s24+$0x20] =	vst v18;
	v4 =	vld.idx.msk [tilespmem:v4+s12+$0x0], $0xffff  }
0x5e: {  	v18 =	vor.u32 $0x280, v12;
	v5 =	vld.idx.msk [tilespmem:v5+s12+$0x0], $0xffff;
	[tilespmem:s24+$0x30] =	vst v13  }
0x5f: {  	v13 =	vor.u32 $0x300, v0;
	v6 =	vld.idx.msk [tilespmem:v6+s12+$0x0], $0xffff;
	[tilespmem:s24+$0x40] =	vst v9  }
0x60: {  	v9 =	vor.u32 $0x300, v2;
	v19 =	vld.idx.msk [tilespmem:v14+s12+$0x0], $0xffff;
	[tilespmem:s24+$0x50] =	vst v8  }
0x61: {  	v20 =	vor.u32 $0x300, v1;
	v21 =	vld.idx.msk [tilespmem:v16+s12+$0x0], $0xffff;
	[tilespmem:s24+$0x60] =	vst v15  }
0x62: {  	v22 =	vor.u32 $0x300, v3;
	[tilespmem:s24+$0x80] =	vst v17;
	v17 =	vld.idx.msk [tilespmem:v7+s12+$0x0], $0xffff  }
0x63: {  	v23 =	vor.u32 $0x300, v10;
	v15 =	vld.idx.msk [tilespmem:v18+s12+$0x0], $0xffff;
	[tilespmem:s24+$0x1F0] =	vst v4  }
0x64: {  	v14 =	vld.idx.msk [tilespmem:v13+s12+$0x0], $0xffff;
	[tilespmem:s24+$0x90] =	vst v5  }
0x65: {  	v13 =	vld.idx.msk [tilespmem:v9+s12+$0x0], $0xffff;
	[tilespmem:s24+$0xA0] =	vst v6  }
0x66: {  	v8 =	vor.u32 $0x300, v11;
	v7 =	vor.u32 $0x380, v0;
	v0 =	vor.u32 $0x380, v12;
	[tilespmem:s24+$0xB0] =	vst v19;
	v16 =	vld.idx.msk [tilespmem:v20+s12+$0x0], $0xffff  }
0x67: {  	s26 =	simm.s32 $0x0;
	v5 =	vor.u32 $0x380, v1;
	v4 =	vor.u32 $0x380, v3;
	v1 =	vor.u32 $0x380, v11;
	v3 =	vld.idx.msk [tilespmem:v22+s12+$0x0], $0xffff;
	[tilespmem:s24+$0xC0] =	vst v21  }
0x68: {  	s28 =	simm.s32 $0xC0;
	s25 =	simm.s32 $0x8A00;
	s23 =	sshll.u32 s22, $0x11;
	v6 =	vor.u32 $0x380, v2;
	v9 =	vor.u32 $0x300, v12;
	v2 =	vor.u32 $0x380, v10;
	v10 =	vld.idx.msk [tilespmem:v23+s12+$0x0], $0xffff;
	[tilespmem:s24+$0xD0] =	vst v17  }
.LBB2_3:
0x69: {  	v11 =	vld [tilespmem:s28+$0x30];
	s26 =	sadd.s32 $0x8, s26;
	[tilespmem:s24+$0xE0] =	vst v15  }
0x6a: {  	v12 =	vld [tilespmem:s28+$0xFFFFFFD0];
	p1 =	slt.u32 s26, $0x78;
	[tilespmem:s24+$0x100] =	vst v14  }
0x6b: {  	v14 =	vld [tilespmem:s28+$0xFFFFFFE0];
	[tilespmem:s24+$0x110] =	vst v13  }
0x6c: {  	v13 =	vld [tilespmem:s28+$0xFFFFFFF0];
	[tilespmem:s24+$0x120] =	vst v16  }
0x6d: {  	v15 =	vld [tilespmem:s28+$0x0];
	[tilespmem:s24+$0x130] =	vst v3  }
0x6e: {  	v16 =	vld [tilespmem:s28+$0x10];
	v3 =	vshll.u32 v11, $0x3;
	[tilespmem:s24+$0x140] =	vst v10  }
0x6f: {  	v11 =	vand.u32 $0x7F, v11;
	v10 =	vshll.u32 v12, $0x3;
	v17 =	vld [tilespmem:s28+$0x20];
	v3 =	vand.u32 $0xFFFFFC00, v3  }
0x70: {  	v18 =	vld [tilespmem:s28+$0xFFFFFFC0];
	v10 =	vand.u32 $0xFFFFFC00, v10;
	v19 =	vshll.u32 v14, $0x3;
	v3 =	vor.u32 v11, v3  }
0x71: {  	v11 =	vand.u32 $0x7F, v12;
	v12 =	vand.u32 $0xFFFFFC00, v19;
	v19 =	vshll.u32 v13, $0x3;
	v8 =	vld.idx.msk [tilespmem:v8+s12+$0x0], $0xffff  }
0x72: {  	v14 =	vand.u32 $0x7F, v14;
	v19 =	vand.u32 $0xFFFFFC00, v19;
	v20 =	vshll.u32 v15, $0x3;
	v9 =	vld.idx.msk [tilespmem:v9+s12+$0x0], $0xffff  }
0x73: {  	v13 =	vand.u32 $0x7F, v13;
	v20 =	vand.u32 $0xFFFFFC00, v20;
	v21 =	vshll.u32 v16, $0x3;
	v7 =	vld.idx.msk [tilespmem:v7+s12+$0x0], $0xffff  }
0x74: {  	v15 =	vand.u32 $0x7F, v15;
	v21 =	vand.u32 $0xFFFFFC00, v21;
	v22 =	vshll.u32 v17, $0x3;
	v6 =	vld.idx.msk [tilespmem:v6+s12+$0x0], $0xffff  }
0x75: {  	v23 =	vand.u32 $0x7F, v18;
	v18 =	vshll.u32 v18, $0x3;
	v22 =	vand.u32 $0xFFFFFC00, v22;
	v24 =	vld.idx.msk [tilespmem:v3+s12+$0x0], $0xffff  }
0x76: {  	v16 =	vand.u32 $0x7F, v16;
	v17 =	vand.u32 $0x7F, v17;
	v18 =	vand.u32 $0xFFFFFC00, v18;
	v5 =	vld.idx.msk [tilespmem:v5+s12+$0x0], $0xffff  }
0x77: {  	v25 =	vor.u32 v11, v10;
	v10 =	vor.u32 $0x80, v3;
	v23 =	vor.u32 v23, v18;
	v4 =	vld.idx.msk [tilespmem:v4+s12+$0x0], $0xffff;
	[tilespmem:s24+$0x150] =	vst v8  }
0x78: {  	v26 =	vor.u32 v14, v12;
	v27 =	vor.u32 v13, v19;
	v28 =	vor.u32 v15, v20;
	[tilespmem:s24+$0x160] =	vst v9  }
0x79: {  	v21 =	vor.u32 v16, v21;
	v22 =	vor.u32 v17, v22;
	v8 =	vor.u32 $0x80, v23;
	[tilespmem:s24+$0x180] =	vst v7;
	v2 =	vld.idx.msk [tilespmem:v2+s12+$0x0], $0xffff  }
0x7a: {  	v29 =	vor.u32 $0x80, v27;
	v9 =	vor.u32 $0x80, v26;
	v7 =	vor.u32 $0x80, v25;
	s24 =	sadd.s32 $0x400, s24;
	[tilespmem:s25+$0x190] =	vst v6;
	v1 =	vld.idx.msk [tilespmem:v1+s12+$0x0], $0xffff  }
0x7b: {  	v30 =	vor.u32 $0x80, v28;
	v31 =	vor.u32 $0x80, v21;
	v32 =	vor.u32 $0x80, v22;
	[tilespmem:s24+$0xFFFFFE70] =	vst v24;
	v0 =	vld.idx.msk [tilespmem:v0+s12+$0x0], $0xffff  }
0x7c: {  	v33 =	vor.u32 $0x100, v25;
	v34 =	vor.u32 $0x100, v26;
	v24 =	vor.u32 $0x100, v23;
	v6 =	vld.idx.msk [tilespmem:v10+s12+$0x0], $0xffff;
	[tilespmem:s25+$0x1A0] =	vst v5  }
0x7d: {  	v35 =	vor.u32 $0x100, v27;
	v36 =	vor.u32 $0x100, v28;
	v37 =	vor.u32 $0x100, v21;
	v5 =	vld.idx.msk [tilespmem:v23+s12+$0x0], $0xffff;
	[tilespmem:s25+$0x1B0] =	vst v4  }
0x7e: {  	v39 =	vor.u32 $0x100, v22;
	v38 =	vor.u32 $0x180, v23;
	v10 =	vor.u32 $0x100, v3;
	v4 =	vld.idx.msk [tilespmem:v25+s12+$0x0], $0xffff  }
0x7f: {  	v40 =	vor.u32 $0x180, v25;
	v41 =	vor.u32 $0x180, v26;
	v42 =	vor.u32 $0x180, v27;
	v11 =	vld.idx.msk [tilespmem:v26+s12+$0x0], $0xffff;
	[tilespmem:s25+$0x1C0] =	vst v2  }
0x80: {  	v43 =	vor.u32 $0x180, v28;
	v44 =	vor.u32 $0x180, v21;
	v45 =	vor.u32 $0x180, v22;
	v2 =	vld.idx.msk [tilespmem:v27+s12+$0x0], $0xffff;
	[tilespmem:s25+$0x1D0] =	vst v1  }
0x81: {  	v47 =	vor.u32 $0x200, v25;
	v48 =	vor.u32 $0x200, v26;
	v46 =	vor.u32 $0x200, v23;
	v1 =	vld.idx.msk [tilespmem:v28+s12+$0x0], $0xffff;
	[tilespmem:s25+$0x1E0] =	vst v0;
	s25 =	smov.u32 s24  }
0x82: {  	v49 =	vor.u32 $0x200, v27;
	v50 =	vor.u32 $0x200, v28;
	v51 =	vor.u32 $0x200, v21;
	v0 =	vld.idx.msk [tilespmem:v21+s12+$0x0], $0xffff;
	[tilespmem:s24+$0xFFFFFEF0] =	vst v6  }
0x83: {  	v18 =	vor.u32 $0x280, v25;
	v53 =	vor.u32 $0x200, v22;
	v52 =	vor.u32 $0x280, v23;
	[tilespmem:s24+$0xFFFFFE00] =	vst v5;
	v54 =	vld.idx.msk [tilespmem:v10+s12+$0x0], $0xffff  }
0x84: {  	v20 =	vor.u32 $0x280, v26;
	v19 =	vor.u32 $0x280, v27;
	v15 =	vor.u32 $0x280, v28;
	[tilespmem:s24+$0xFFFFFE10] =	vst v4;
	v55 =	vld.idx.msk [tilespmem:v22+s12+$0x0], $0xffff  }
0x85: {  	v57 =	vor.u32 $0x180, v3;
	v17 =	vor.u32 $0x280, v21;
	v16 =	vor.u32 $0x280, v22;
	v56 =	vld.idx.msk [tilespmem:v8+s12+$0x0], $0xffff;
	[tilespmem:s24+$0xFFFFFE20] =	vst v11  }
0x86: {  	v13 =	vor.u32 $0x300, v25;
	v14 =	vor.u32 $0x300, v23;
	v10 =	vor.u32 $0x300, v26;
	v58 =	vld.idx.msk [tilespmem:v7+s12+$0x0], $0xffff;
	[tilespmem:s24+$0xFFFFFE30] =	vst v2  }
0x87: {  	v12 =	vor.u32 $0x300, v27;
	v11 =	vor.u32 $0x300, v28;
	v8 =	vor.u32 $0x300, v21;
	v59 =	vld.idx.msk [tilespmem:v9+s12+$0x0], $0xffff;
	[tilespmem:s24+$0xFFFFFE40] =	vst v1  }
0x88: {  	v6 =	vor.u32 $0x380, v25;
	v7 =	vor.u32 $0x380, v23;
	v9 =	vor.u32 $0x300, v22;
	v23 =	vld.idx.msk [tilespmem:v29+s12+$0x0], $0xffff;
	[tilespmem:s24+$0xFFFFFE50] =	vst v0  }
0x89: {  	v5 =	vor.u32 $0x380, v26;
	v4 =	vor.u32 $0x380, v27;
	v2 =	vor.u32 $0x380, v28;
	v25 =	vld.idx.msk [tilespmem:v30+s12+$0x0], $0xffff;
	[tilespmem:s24+$0xFFFFFF70] =	vst v54  }
0x8a: {  	v1 =	vor.u32 $0x380, v21;
	v0 =	vor.u32 $0x380, v22;
	[tilespmem:s24+$0xFFFFFE60] =	vst v55;
	v21 =	vld.idx.msk [tilespmem:v57+s12+$0x0], $0xffff  }
0x8b: {  	[tilespmem:s24+$0xFFFFFE80] =	vst v56;
	v22 =	vld.idx.msk [tilespmem:v31+s12+$0x0], $0xffff  }
0x8c: {  	v27 =	vor.u32 $0x200, v3;
	[tilespmem:s24+$0xFFFFFE90] =	vst v58;
	v26 =	vld.idx.msk [tilespmem:v32+s12+$0x0], $0xffff  }
0x8d: {  	v24 =	vld.idx.msk [tilespmem:v24+s12+$0x0], $0xffff;
	[tilespmem:s24+$0xFFFFFEA0] =	vst v59  }
0x8e: {  	v28 =	vld.idx.msk [tilespmem:v33+s12+$0x0], $0xffff;
	[tilespmem:s24+$0xFFFFFEB0] =	vst v23  }
0x8f: {  	v23 =	vld.idx.msk [tilespmem:v34+s12+$0x0], $0xffff;
	[tilespmem:s24+$0xFFFFFEC0] =	vst v25  }
0x90: {  	v25 =	vld.idx.msk [tilespmem:v35+s12+$0x0], $0xffff;
	[tilespmem:s24+$0xFFFFFFF0] =	vst v21  }
0x91: {  	[tilespmem:s24+$0xFFFFFED0] =	vst v22;
	v21 =	vld.idx.msk [tilespmem:v27+s12+$0x0], $0xffff  }
0x92: {  	v22 =	vld.idx.msk [tilespmem:v36+s12+$0x0], $0xffff;
	[tilespmem:s24+$0xFFFFFEE0] =	vst v26  }
0x93: {  	v26 =	vor.u32 $0x280, v3;
	[tilespmem:s24+$0xFFFFFF00] =	vst v24;
	v24 =	vld.idx.msk [tilespmem:v37+s12+$0x0], $0xffff  }
0x94: {  	[tilespmem:s24+$0xFFFFFF10] =	vst v28;
	v27 =	vld.idx.msk [tilespmem:v39+s12+$0x0], $0xffff  }
0x95: {  	v28 =	vld.idx.msk [tilespmem:v38+s12+$0x0], $0xffff;
	[tilespmem:s24+$0xFFFFFF20] =	vst v23  }
0x96: {  	v23 =	vld.idx.msk [tilespmem:v40+s12+$0x0], $0xffff;
	[tilespmem:s24+$0xFFFFFF30] =	vst v25  }
0x97: {  	v25 =	vld.idx.msk [tilespmem:v41+s12+$0x0], $0xffff;
	[tilespmem:s24+$0x70] =	vst v21  }
0x98: {  	[tilespmem:s24+$0xFFFFFF40] =	vst v22;
	v21 =	vld.idx.msk [tilespmem:v26+s12+$0x0], $0xffff  }
0x99: {  	v22 =	vld.idx.msk [tilespmem:v42+s12+$0x0], $0xffff;
	[tilespmem:s24+$0xFFFFFF50] =	vst v24  }
0x9a: {  	v26 =	vor.u32 $0x300, v3;
	v24 =	vld.idx.msk [tilespmem:v43+s12+$0x0], $0xffff;
	[tilespmem:s24+$0xFFFFFF60] =	vst v27  }
0x9b: {  	[tilespmem:s24+$0xFFFFFF80] =	vst v28;
	v27 =	vld.idx.msk [tilespmem:v44+s12+$0x0], $0xffff  }
0x9c: {  	[tilespmem:s24+$0xFFFFFF90] =	vst v23;
	v23 =	vld.idx.msk [tilespmem:v45+s12+$0x0], $0xffff  }
0x9d: {  	v28 =	vld.idx.msk [tilespmem:v46+s12+$0x0], $0xffff;
	[tilespmem:s24+$0xFFFFFFA0] =	vst v25  }
0x9e: {  	v25 =	vld.idx.msk [tilespmem:v47+s12+$0x0], $0xffff;
	[tilespmem:s24+$0xF0] =	vst v21  }
0x9f: {  	[tilespmem:s24+$0xFFFFFFB0] =	vst v22;
	v21 =	vld.idx.msk [tilespmem:v26+s12+$0x0], $0xffff  }
0xa0: {  	v22 =	vld.idx.msk [tilespmem:v48+s12+$0x0], $0xffff;
	[tilespmem:s24+$0xFFFFFFC0] =	vst v24  }
0xa1: {  	v3 =	vor.u32 $0x380, v3;
	v24 =	vld.idx.msk [tilespmem:v49+s12+$0x0], $0xffff;
	[tilespmem:s24+$0xFFFFFFD0] =	vst v27  }
0xa2: {  	v26 =	vld.idx.msk [tilespmem:v50+s12+$0x0], $0xffff;
	[tilespmem:s24+$0xFFFFFFE0] =	vst v23  }
0xa3: {  	[tilespmem:s24+$0x0] =	vst v28;
	v23 =	vld.idx.msk [tilespmem:v51+s12+$0x0], $0xffff  }
0xa4: {  	[tilespmem:s24+$0x10] =	vst v25;
	v25 =	vld.idx.msk [tilespmem:v53+s12+$0x0], $0xffff  }
0xa5: {  	v27 =	vld.idx.msk [tilespmem:v52+s12+$0x0], $0xffff;
	[tilespmem:s24+$0x170] =	vst v21  }
0xa6: {  	[tilespmem:s24+$0x20] =	vst v22;
	v3 =	vld.idx.msk [tilespmem:v3+s12+$0x0], $0xffff  }
0xa7: {  	v18 =	vld.idx.msk [tilespmem:v18+s12+$0x0], $0xffff;
	[tilespmem:s24+$0x30] =	vst v24  }
0xa8: {  	v20 =	vld.idx.msk [tilespmem:v20+s12+$0x0], $0xffff;
	[tilespmem:s24+$0x40] =	vst v26  }
0xa9: {  	v19 =	vld.idx.msk [tilespmem:v19+s12+$0x0], $0xffff;
	[tilespmem:s24+$0x50] =	vst v23  }
0xaa: {  	v21 =	vld.idx.msk [tilespmem:v15+s12+$0x0], $0xffff;
	[tilespmem:s24+$0x60] =	vst v25  }
0xab: {  	[tilespmem:s24+$0x80] =	vst v27;
	v17 =	vld.idx.msk [tilespmem:v17+s12+$0x0], $0xffff  }
0xac: {  	v15 =	vld.idx.msk [tilespmem:v16+s12+$0x0], $0xffff;
	[tilespmem:s24+$0x1F0] =	vst v3  }
.Ltmp2:
0xad: {  	v14 =	vld.idx.msk [tilespmem:v14+s12+$0x0], $0xffff;
	[tilespmem:s24+$0x90] =	vst v18;
	(pc) =	sbr.rel @p1 .LBB2_3-.Ltmp2, $4  }
0xae: {  	v13 =	vld.idx.msk [tilespmem:v13+s12+$0x0], $0xffff;
	[tilespmem:s24+$0xA0] =	vst v20  }
0xaf: {  	v16 =	vld.idx.msk [tilespmem:v10+s12+$0x0], $0xffff;
	[tilespmem:s24+$0xB0] =	vst v19  }
0xb0: {  	v3 =	vld.idx.msk [tilespmem:v12+s12+$0x0], $0xffff;
	[tilespmem:s24+$0xC0] =	vst v21  }
0xb1: {  	s28 =	sadd.s32 $0x80, s28;
	v10 =	vld.idx.msk [tilespmem:v11+s12+$0x0], $0xffff;
	[tilespmem:s24+$0xD0] =	vst v17  }
0xb2: {  	_ =	sdelay $0x2  }
0xb3: {  	[tilespmem:s24+$0xE0] =	vst v15  }
0xb4: {  	[tilespmem:s24+$0x100] =	vst v14;
	v8 =	vld.idx.msk [tilespmem:v8+s12+$0x0], $0xffff  }
0xb5: {  	[tilespmem:s24+$0x110] =	vst v13;
	v9 =	vld.idx.msk [tilespmem:v9+s12+$0x0], $0xffff  }
0xb6: {  	v7 =	vld.idx.msk [tilespmem:v7+s12+$0x0], $0xffff;
	[tilespmem:s24+$0x120] =	vst v16  }
0xb7: {  	v63 =	vld.idx.msk [tilespmem:v6+s12+$0x0], $0xffff;
	[tilespmem:s24+$0x130] =	vst v3  }
0xb8: {  	v5 =	vld.idx.msk [tilespmem:v5+s12+$0x0], $0xffff;
	[tilespmem:s24+$0x140] =	vst v10  }
0xb9: {  	v4 =	vld.idx.msk [tilespmem:v4+s12+$0x0], $0xffff;
	[tilespmem:s24+$0x150] =	vst v8  }
0xba: {  	v2 =	vld.idx.msk [tilespmem:v2+s12+$0x0], $0xffff;
	[tilespmem:s24+$0x160] =	vst v9  }
0xbb: {  	[tilespmem:s24+$0x180] =	vst v7;
	v1 =	vld.idx.msk [tilespmem:v1+s12+$0x0], $0xffff  }
0xbc: {  	[tilespmem:s25+$0x190] =	vst v63;
	v0 =	vld.idx.msk [tilespmem:v0+s12+$0x0], $0xffff  }
0xbd: {  	p1 =	sne.s32 s22, $0x1F;
	[tilespmem:s25+$0x1A0] =	vst v5  }
.Ltmp3:
0xbe: {  	[tilespmem:s25+$0x1B0] =	vst v4;
	(pc) =	sbr.rel @p1 .LBB2_6-.Ltmp3, $4  }
0xbf: {  	[tilespmem:s25+$0x1C0] =	vst v2  }
0xc0: {  	[tilespmem:s25+$0x1D0] =	vst v1  }
0xc1: {  	s31 =	sadd.s32 s23, s7;
	[tilespmem:s25+$0x1E0] =	vst v0  }
0xc2: {  	[hbm4b:s31+s4] =	stream.linear.scatter [tilespmem:s16], [sflag:$0x3], $0x4000, $0x38;
	[tilespmem:$0x10800] =	vst v63  }
.Ltmp4:
0xc3: {  	(pc) =	sbr.rel .LBB2_7-.Ltmp4, $4  }
0xc4: {  	_ = 	snop  }
0xc5: {  	_ =	swait.ge [sflag:s17], $0x4000  }
0xc6: {  	[sflag:s17] =	ssyncset.done $0x0  }
0xc7: {  	[sflag:s17] =	ssyncadd.s32 $0xFFFFC000  }
.LBB2_6:
.Ltmp5:
0xc8: {  	s24 =	sadd.s32 s23, s8;
	(pc) =	sbr.rel @p0 .LBB2_8-.Ltmp5, $4  }
0xc9: {  	[tilespmem:s12], [sflag:$0x1] =	stream.linear.gather [hbm4b:s24+s4], $0x4000, $0x38;
	[tilespmem:$0x10800] =	vst v63  }
0xca: {  	_ =	swait.ge [sflag:s17], $0x4000  }
0xcb: {  	[sflag:s17] =	ssyncset.done $0x0  }
0xcc: {  	[sflag:s17] =	ssyncadd.s32 $0xFFFFC000  }
.LBB2_7:
0xcd: {  	_ =	swait.ge [sflag:s18], $0x4000  }
0xce: {  	[sflag:s18] =	ssyncset.done $0x0  }
0xcf: {  	[sflag:s18] =	ssyncadd.s32 $0xFFFFC000  }
.LBB2_8:
0xd0: {  	s24 =	simm.s32 $0x40  }
0xd1: {  	v0 =	vld [tilespmem:s24+$0x30];
	_ =	sdelay $0x3  }
0xd2: {  	v1 =	vld [tilespmem:s24+$0xFFFFFFD0]  }
0xd3: {  	v2 =	vshll.u32 v0, $0x3  }
0xd4: {  	v3 =	vld [tilespmem:s24+$0xFFFFFFE0];
	v0 =	vand.u32 $0x7F, v0;
	v2 =	vand.u32 $0xFFFFFC00, v2  }
0xd5: {  	v5 =	vld [tilespmem:s24+$0xFFFFFFC0];
	v4 =	vor.u32 v0, v2;
	_ =	sdelay $0x1  }
0xd6: {  	v2 =	vld [tilespmem:s24+$0xFFFFFFF0];
	v0 =	vshll.u32 v1, $0x3  }
0xd7: {  	v7 =	vld [tilespmem:s24+$0x10];
	v1 =	vand.u32 $0x7F, v1;
	v8 =	vand.u32 $0xFFFFFC00, v0  }
0xd8: {  	v6 =	vld [tilespmem:s24+$0x0];
	v0 =	vshll.u32 v3, $0x3;
	v1 =	vor.u32 v1, v8  }
0xd9: {  	v11 =	vor.u32 $0x80, v4;
	v9 =	vand.u32 $0xFFFFFC00, v0;
	v0 =	vshll.u32 v5, $0x3;
	v10 =	vld.idx.msk [tilespmem:v4+s13+$0x0], $0xffff  }
0xda: {  	v12 =	vld [tilespmem:s24+$0x20];
	v3 =	vand.u32 $0x7F, v3;
	v5 =	vand.u32 $0x7F, v5;
	v0 =	vand.u32 $0xFFFFFC00, v0  }
0xdb: {  	v0 =	vor.u32 v5, v0;
	v13 =	vshll.u32 v2, $0x3;
	v8 =	vand.u32 $0x7F, v2  }
0xdc: {  	v2 =	vor.u32 v3, v9;
	v9 =	vshll.u32 v7, $0x3;
	v5 =	vand.u32 $0xFFFFFC00, v13  }
0xdd: {  	s24 =	simm.s32 $0xCA00;
	v13 =	vshll.u32 v6, $0x3;
	v3 =	vor.u32 v8, v5;
	v5 =	vand.u32 $0xFFFFFC00, v9;
	v9 =	vld.idx.msk [tilespmem:v1+s13+$0x0], $0xffff  }
0xde: {  	v15 =	vor.u32 $0x80, v1;
	v6 =	vand.u32 $0x7F, v6;
	v13 =	vand.u32 $0xFFFFFC00, v13;
	[tilespmem:s24+$0xFFFFFE70] =	vst v10  }
0xdf: {  	v7 =	vand.u32 $0x7F, v7;
	v8 =	vshll.u32 v12, $0x3;
	v10 =	vor.u32 v6, v13;
	v6 =	vld.idx.msk [tilespmem:v11+s13+$0x0], $0xffff  }
0xe0: {  	v11 =	vor.u32 v7, v5;
	v5 =	vld.idx.msk [tilespmem:v0+s13+$0x0], $0xffff;
	v7 =	vand.u32 $0xFFFFFC00, v8;
	v8 =	vand.u32 $0x7F, v12  }
0xe1: {  	v13 =	vor.u32 $0x100, v4;
	v12 =	vor.u32 v8, v7;
	v7 =	vld.idx.msk [tilespmem:v2+s13+$0x0], $0xffff  }
0xe2: {  	v8 =	vor.u32 $0x80, v0;
	v14 =	vld.idx.msk [tilespmem:v3+s13+$0x0], $0xffff;
	[tilespmem:s24+$0xFFFFFE10] =	vst v9  }
0xe3: {  	v15 =	vld.idx.msk [tilespmem:v15+s13+$0x0], $0xffff  }
0xe4: {  	v17 =	vor.u32 $0x80, v2;
	v16 =	vld.idx.msk [tilespmem:v10+s13+$0x0], $0xffff  }
0xe5: {  	v18 =	vld.idx.msk [tilespmem:v11+s13+$0x0], $0xffff;
	[tilespmem:s24+$0xFFFFFEF0] =	vst v6;
	v6 =	vor.u32 $0x80, v3  }
0xe6: {  	[tilespmem:s24+$0xFFFFFE00] =	vst v5;
	v5 =	vld.idx.msk [tilespmem:v13+s13+$0x0], $0xffff;
	v13 =	vor.u32 $0x80, v10  }
0xe7: {  	v19 =	vor.u32 $0x80, v11;
	v8 =	vld.idx.msk [tilespmem:v8+s13+$0x0], $0xffff;
	[tilespmem:s24+$0xFFFFFE20] =	vst v7  }
0xe8: {  	v9 =	vld.idx.msk [tilespmem:v12+s13+$0x0], $0xffff;
	v7 =	vor.u32 $0x180, v4;
	[tilespmem:s24+$0xFFFFFE30] =	vst v14  }
0xe9: {  	v14 =	vor.u32 $0x80, v12;
	v17 =	vld.idx.msk [tilespmem:v17+s13+$0x0], $0xffff;
	[tilespmem:s24+$0xFFFFFE40] =	vst v16  }
0xea: {  	v16 =	vor.u32 $0x100, v0;
	v6 =	vld.idx.msk [tilespmem:v6+s13+$0x0], $0xffff;
	[tilespmem:s24+$0xFFFFFE50] =	vst v18  }
0xeb: {  	v18 =	vor.u32 $0x100, v1;
	v13 =	vld.idx.msk [tilespmem:v13+s13+$0x0], $0xffff;
	[tilespmem:s24+$0xFFFFFF70] =	vst v5  }
0xec: {  	v5 =	vor.u32 $0x100, v2;
	[tilespmem:s24+$0xFFFFFE80] =	vst v8;
	v8 =	vld.idx.msk [tilespmem:v19+s13+$0x0], $0xffff  }
0xed: {  	[tilespmem:s24+$0xFFFFFE60] =	vst v9;
	v9 =	vor.u32 $0x100, v3;
	v7 =	vld.idx.msk [tilespmem:v7+s13+$0x0], $0xffff  }
0xee: {  	[tilespmem:s24+$0xFFFFFE90] =	vst v15;
	v19 =	vor.u32 $0x100, v10;
	v14 =	vld.idx.msk [tilespmem:v14+s13+$0x0], $0xffff  }
0xef: {  	[tilespmem:s24+$0xFFFFFEA0] =	vst v17;
	v17 =	vor.u32 $0x100, v11;
	v16 =	vld.idx.msk [tilespmem:v16+s13+$0x0], $0xffff  }
0xf0: {  	v15 =	vor.u32 $0x200, v4;
	v18 =	vld.idx.msk [tilespmem:v18+s13+$0x0], $0xffff;
	[tilespmem:s24+$0xFFFFFEB0] =	vst v6  }
0xf1: {  	v6 =	vor.u32 $0x100, v12;
	v5 =	vld.idx.msk [tilespmem:v5+s13+$0x0], $0xffff;
	[tilespmem:s24+$0xFFFFFEC0] =	vst v13  }
0xf2: {  	v13 =	vor.u32 $0x180, v0;
	v9 =	vld.idx.msk [tilespmem:v9+s13+$0x0], $0xffff;
	[tilespmem:s24+$0xFFFFFED0] =	vst v8  }
0xf3: {  	[tilespmem:s24+$0xFFFFFFF0] =	vst v7;
	v7 =	vor.u32 $0x180, v1;
	v19 =	vld.idx.msk [tilespmem:v19+s13+$0x0], $0xffff  }
0xf4: {  	[tilespmem:s24+$0xFFFFFEE0] =	vst v14;
	v14 =	vld.idx.msk [tilespmem:v17+s13+$0x0], $0xffff;
	v17 =	vor.u32 $0x180, v3  }
0xf5: {  	v8 =	vld.idx.msk [tilespmem:v15+s13+$0x0], $0xffff;
	v15 =	vor.u32 $0x180, v2;
	[tilespmem:s24+$0xFFFFFF00] =	vst v16  }
0xf6: {  	v16 =	vor.u32 $0x280, v4;
	[tilespmem:s24+$0xFFFFFF10] =	vst v18;
	v6 =	vld.idx.msk [tilespmem:v6+s13+$0x0], $0xffff  }
0xf7: {  	v18 =	vor.u32 $0x180, v10;
	v13 =	vld.idx.msk [tilespmem:v13+s13+$0x0], $0xffff;
	[tilespmem:s24+$0xFFFFFF20] =	vst v5  }
0xf8: {  	v5 =	vor.u32 $0x180, v11;
	[tilespmem:s24+$0xFFFFFF30] =	vst v9;
	v7 =	vld.idx.msk [tilespmem:v7+s13+$0x0], $0xffff  }
0xf9: {  	v9 =	vor.u32 $0x180, v12;
	[tilespmem:s24+$0xFFFFFF40] =	vst v19;
	v17 =	vld.idx.msk [tilespmem:v17+s13+$0x0], $0xffff  }
0xfa: {  	v15 =	vld.idx.msk [tilespmem:v15+s13+$0x0], $0xffff;
	[tilespmem:s24+$0x70] =	vst v8;
	v8 =	vor.u32 $0x200, v0  }
0xfb: {  	v19 =	vor.u32 $0x200, v1;
	[tilespmem:s24+$0xFFFFFF50] =	vst v14;
	v16 =	vld.idx.msk [tilespmem:v16+s13+$0x0], $0xffff  }
0xfc: {  	v14 =	vld.idx.msk [tilespmem:v18+s13+$0x0], $0xffff;
	[tilespmem:s24+$0xFFFFFF60] =	vst v6;
	v6 =	vor.u32 $0x300, v4  }
0xfd: {  	v18 =	vor.u32 $0x200, v2;
	[tilespmem:s24+$0xFFFFFF80] =	vst v13;
	v5 =	vld.idx.msk [tilespmem:v5+s13+$0x0], $0xffff  }
0xfe: {  	v13 =	vor.u32 $0x200, v3;
	[tilespmem:s24+$0xFFFFFF90] =	vst v7;
	v7 =	vld.idx.msk [tilespmem:v9+s13+$0x0], $0xffff  }
0xff: {  	v9 =	vor.u32 $0x200, v10;
	v8 =	vld.idx.msk [tilespmem:v8+s13+$0x0], $0xffff;
	[tilespmem:s24+$0xFFFFFFA0] =	vst v15  }
0x100: {  	v15 =	vor.u32 $0x200, v11;
	v19 =	vld.idx.msk [tilespmem:v19+s13+$0x0], $0xffff;
	[tilespmem:s24+$0xF0] =	vst v16  }
0x101: {  	[tilespmem:s24+$0xFFFFFFB0] =	vst v17;
	v16 =	vor.u32 $0x200, v12;
	v6 =	vld.idx.msk [tilespmem:v6+s13+$0x0], $0xffff  }
0x102: {  	v17 =	vor.u32 $0x280, v0;
	v18 =	vld.idx.msk [tilespmem:v18+s13+$0x0], $0xffff;
	[tilespmem:s24+$0xFFFFFFC0] =	vst v14  }
0x103: {  	v4 =	vor.u32 $0x380, v4;
	v13 =	vld.idx.msk [tilespmem:v13+s13+$0x0], $0xffff;
	[tilespmem:s24+$0xFFFFFFD0] =	vst v5  }
0x104: {  	v5 =	vor.u32 $0x280, v1;
	v9 =	vld.idx.msk [tilespmem:v9+s13+$0x0], $0xffff;
	[tilespmem:s24+$0xFFFFFFE0] =	vst v7  }
0x105: {  	v7 =	vor.u32 $0x280, v2;
	[tilespmem:s24+$0x0] =	vst v8;
	v8 =	vld.idx.msk [tilespmem:v15+s13+$0x0], $0xffff  }
0x106: {  	v14 =	vor.u32 $0x280, v3;
	[tilespmem:s24+$0x10] =	vst v19;
	v15 =	vld.idx.msk [tilespmem:v16+s13+$0x0], $0xffff  }
0x107: {  	v16 =	vor.u32 $0x280, v10;
	v17 =	vld.idx.msk [tilespmem:v17+s13+$0x0], $0xffff;
	[tilespmem:s24+$0x170] =	vst v6  }
0x108: {  	v6 =	vor.u32 $0x280, v11;
	[tilespmem:s24+$0x20] =	vst v18;
	v4 =	vld.idx.msk [tilespmem:v4+s13+$0x0], $0xffff  }
0x109: {  	v18 =	vor.u32 $0x280, v12;
	v5 =	vld.idx.msk [tilespmem:v5+s13+$0x0], $0xffff;
	[tilespmem:s24+$0x30] =	vst v13  }
0x10a: {  	v13 =	vor.u32 $0x300, v0;
	v7 =	vld.idx.msk [tilespmem:v7+s13+$0x0], $0xffff;
	[tilespmem:s24+$0x40] =	vst v9  }
0x10b: {  	v9 =	vor.u32 $0x300, v1;
	v19 =	vld.idx.msk [tilespmem:v14+s13+$0x0], $0xffff;
	[tilespmem:s24+$0x50] =	vst v8  }
0x10c: {  	v20 =	vor.u32 $0x300, v2;
	v21 =	vld.idx.msk [tilespmem:v16+s13+$0x0], $0xffff;
	[tilespmem:s24+$0x60] =	vst v15  }
0x10d: {  	v22 =	vor.u32 $0x300, v3;
	[tilespmem:s24+$0x80] =	vst v17;
	v17 =	vld.idx.msk [tilespmem:v6+s13+$0x0], $0xffff  }
0x10e: {  	v23 =	vor.u32 $0x300, v10;
	v15 =	vld.idx.msk [tilespmem:v18+s13+$0x0], $0xffff;
	[tilespmem:s24+$0x1F0] =	vst v4  }
0x10f: {  	v14 =	vld.idx.msk [tilespmem:v13+s13+$0x0], $0xffff;
	[tilespmem:s24+$0x90] =	vst v5  }
0x110: {  	v13 =	vld.idx.msk [tilespmem:v9+s13+$0x0], $0xffff;
	[tilespmem:s24+$0xA0] =	vst v7  }
0x111: {  	v8 =	vor.u32 $0x300, v11;
	v6 =	vor.u32 $0x380, v1;
	v1 =	vor.u32 $0x380, v11;
	[tilespmem:s24+$0xB0] =	vst v19;
	v16 =	vld.idx.msk [tilespmem:v20+s13+$0x0], $0xffff  }
0x112: {  	v5 =	vor.u32 $0x380, v2;
	v4 =	vor.u32 $0x380, v3;
	v2 =	vor.u32 $0x380, v10;
	v3 =	vld.idx.msk [tilespmem:v22+s13+$0x0], $0xffff;
	[tilespmem:s24+$0xC0] =	vst v21  }
0x113: {  	s26 =	simm.s32 $0x0;
	s28 =	simm.s32 $0xC0;
	s25 =	simm.s32 $0xCA00;
	v7 =	vor.u32 $0x380, v0;
	v9 =	vor.u32 $0x300, v12;
	v0 =	vor.u32 $0x380, v12;
	v10 =	vld.idx.msk [tilespmem:v23+s13+$0x0], $0xffff;
	[tilespmem:s24+$0xD0] =	vst v17  }
.LBB2_9:
0x114: {  	v11 =	vld [tilespmem:s28+$0x30];
	s26 =	sadd.s32 $0x8, s26;
	[tilespmem:s24+$0xE0] =	vst v15  }
0x115: {  	v12 =	vld [tilespmem:s28+$0xFFFFFFD0];
	p0 =	slt.u32 s26, $0x78;
	[tilespmem:s24+$0x100] =	vst v14  }
0x116: {  	v14 =	vld [tilespmem:s28+$0xFFFFFFE0];
	[tilespmem:s24+$0x110] =	vst v13  }
0x117: {  	v13 =	vld [tilespmem:s28+$0xFFFFFFF0];
	[tilespmem:s24+$0x120] =	vst v16  }
0x118: {  	v15 =	vld [tilespmem:s28+$0x0];
	[tilespmem:s24+$0x130] =	vst v3  }
0x119: {  	v16 =	vld [tilespmem:s28+$0x10];
	v3 =	vshll.u32 v11, $0x3;
	[tilespmem:s24+$0x140] =	vst v10  }
0x11a: {  	v11 =	vand.u32 $0x7F, v11;
	v10 =	vshll.u32 v12, $0x3;
	v17 =	vld [tilespmem:s28+$0x20];
	v3 =	vand.u32 $0xFFFFFC00, v3  }
0x11b: {  	v18 =	vld [tilespmem:s28+$0xFFFFFFC0];
	v10 =	vand.u32 $0xFFFFFC00, v10;
	v19 =	vshll.u32 v14, $0x3;
	v3 =	vor.u32 v11, v3  }
0x11c: {  	v11 =	vand.u32 $0x7F, v12;
	v12 =	vand.u32 $0xFFFFFC00, v19;
	v19 =	vshll.u32 v13, $0x3;
	v8 =	vld.idx.msk [tilespmem:v8+s13+$0x0], $0xffff  }
0x11d: {  	v14 =	vand.u32 $0x7F, v14;
	v19 =	vand.u32 $0xFFFFFC00, v19;
	v20 =	vshll.u32 v15, $0x3;
	v9 =	vld.idx.msk [tilespmem:v9+s13+$0x0], $0xffff  }
0x11e: {  	v13 =	vand.u32 $0x7F, v13;
	v20 =	vand.u32 $0xFFFFFC00, v20;
	v21 =	vshll.u32 v16, $0x3;
	v7 =	vld.idx.msk [tilespmem:v7+s13+$0x0], $0xffff  }
0x11f: {  	v15 =	vand.u32 $0x7F, v15;
	v21 =	vand.u32 $0xFFFFFC00, v21;
	v22 =	vshll.u32 v17, $0x3;
	v6 =	vld.idx.msk [tilespmem:v6+s13+$0x0], $0xffff  }
0x120: {  	v23 =	vand.u32 $0x7F, v18;
	v18 =	vshll.u32 v18, $0x3;
	v22 =	vand.u32 $0xFFFFFC00, v22;
	v24 =	vld.idx.msk [tilespmem:v3+s13+$0x0], $0xffff  }
0x121: {  	v16 =	vand.u32 $0x7F, v16;
	v17 =	vand.u32 $0x7F, v17;
	v18 =	vand.u32 $0xFFFFFC00, v18;
	v5 =	vld.idx.msk [tilespmem:v5+s13+$0x0], $0xffff  }
0x122: {  	v25 =	vor.u32 v11, v10;
	v10 =	vor.u32 $0x80, v3;
	v23 =	vor.u32 v23, v18;
	v4 =	vld.idx.msk [tilespmem:v4+s13+$0x0], $0xffff;
	[tilespmem:s24+$0x150] =	vst v8  }
0x123: {  	v26 =	vor.u32 v14, v12;
	v27 =	vor.u32 v13, v19;
	v28 =	vor.u32 v15, v20;
	[tilespmem:s24+$0x160] =	vst v9  }
0x124: {  	v21 =	vor.u32 v16, v21;
	v22 =	vor.u32 v17, v22;
	v8 =	vor.u32 $0x80, v23;
	[tilespmem:s24+$0x180] =	vst v7;
	v2 =	vld.idx.msk [tilespmem:v2+s13+$0x0], $0xffff  }
0x125: {  	v29 =	vor.u32 $0x80, v27;
	v9 =	vor.u32 $0x80, v26;
	v7 =	vor.u32 $0x80, v25;
	s24 =	sadd.s32 $0x400, s24;
	[tilespmem:s25+$0x190] =	vst v6;
	v1 =	vld.idx.msk [tilespmem:v1+s13+$0x0], $0xffff  }
0x126: {  	v30 =	vor.u32 $0x80, v28;
	v31 =	vor.u32 $0x80, v21;
	v32 =	vor.u32 $0x80, v22;
	[tilespmem:s24+$0xFFFFFE70] =	vst v24;
	v0 =	vld.idx.msk [tilespmem:v0+s13+$0x0], $0xffff  }
0x127: {  	v33 =	vor.u32 $0x100, v25;
	v34 =	vor.u32 $0x100, v26;
	v24 =	vor.u32 $0x100, v23;
	v6 =	vld.idx.msk [tilespmem:v10+s13+$0x0], $0xffff;
	[tilespmem:s25+$0x1A0] =	vst v5  }
0x128: {  	v35 =	vor.u32 $0x100, v27;
	v36 =	vor.u32 $0x100, v28;
	v37 =	vor.u32 $0x100, v21;
	v5 =	vld.idx.msk [tilespmem:v23+s13+$0x0], $0xffff;
	[tilespmem:s25+$0x1B0] =	vst v4  }
0x129: {  	v39 =	vor.u32 $0x100, v22;
	v38 =	vor.u32 $0x180, v23;
	v10 =	vor.u32 $0x100, v3;
	v4 =	vld.idx.msk [tilespmem:v25+s13+$0x0], $0xffff  }
0x12a: {  	v40 =	vor.u32 $0x180, v25;
	v41 =	vor.u32 $0x180, v26;
	v42 =	vor.u32 $0x180, v27;
	v11 =	vld.idx.msk [tilespmem:v26+s13+$0x0], $0xffff;
	[tilespmem:s25+$0x1C0] =	vst v2  }
0x12b: {  	v43 =	vor.u32 $0x180, v28;
	v44 =	vor.u32 $0x180, v21;
	v45 =	vor.u32 $0x180, v22;
	v2 =	vld.idx.msk [tilespmem:v27+s13+$0x0], $0xffff;
	[tilespmem:s25+$0x1D0] =	vst v1  }
0x12c: {  	v47 =	vor.u32 $0x200, v25;
	v48 =	vor.u32 $0x200, v26;
	v46 =	vor.u32 $0x200, v23;
	v1 =	vld.idx.msk [tilespmem:v28+s13+$0x0], $0xffff;
	[tilespmem:s25+$0x1E0] =	vst v0;
	s25 =	smov.u32 s24  }
0x12d: {  	v49 =	vor.u32 $0x200, v27;
	v50 =	vor.u32 $0x200, v28;
	v51 =	vor.u32 $0x200, v21;
	v0 =	vld.idx.msk [tilespmem:v21+s13+$0x0], $0xffff;
	[tilespmem:s24+$0xFFFFFEF0] =	vst v6  }
0x12e: {  	v18 =	vor.u32 $0x280, v25;
	v53 =	vor.u32 $0x200, v22;
	v52 =	vor.u32 $0x280, v23;
	[tilespmem:s24+$0xFFFFFE00] =	vst v5;
	v54 =	vld.idx.msk [tilespmem:v10+s13+$0x0], $0xffff  }
0x12f: {  	v20 =	vor.u32 $0x280, v26;
	v19 =	vor.u32 $0x280, v27;
	v15 =	vor.u32 $0x280, v28;
	[tilespmem:s24+$0xFFFFFE10] =	vst v4;
	v55 =	vld.idx.msk [tilespmem:v22+s13+$0x0], $0xffff  }
0x130: {  	v57 =	vor.u32 $0x180, v3;
	v17 =	vor.u32 $0x280, v21;
	v16 =	vor.u32 $0x280, v22;
	v56 =	vld.idx.msk [tilespmem:v8+s13+$0x0], $0xffff;
	[tilespmem:s24+$0xFFFFFE20] =	vst v11  }
0x131: {  	v13 =	vor.u32 $0x300, v25;
	v14 =	vor.u32 $0x300, v23;
	v10 =	vor.u32 $0x300, v26;
	v58 =	vld.idx.msk [tilespmem:v7+s13+$0x0], $0xffff;
	[tilespmem:s24+$0xFFFFFE30] =	vst v2  }
0x132: {  	v12 =	vor.u32 $0x300, v27;
	v11 =	vor.u32 $0x300, v28;
	v8 =	vor.u32 $0x300, v21;
	v59 =	vld.idx.msk [tilespmem:v9+s13+$0x0], $0xffff;
	[tilespmem:s24+$0xFFFFFE40] =	vst v1  }
0x133: {  	v6 =	vor.u32 $0x380, v25;
	v7 =	vor.u32 $0x380, v23;
	v9 =	vor.u32 $0x300, v22;
	v23 =	vld.idx.msk [tilespmem:v29+s13+$0x0], $0xffff;
	[tilespmem:s24+$0xFFFFFE50] =	vst v0  }
0x134: {  	v5 =	vor.u32 $0x380, v26;
	v4 =	vor.u32 $0x380, v27;
	v2 =	vor.u32 $0x380, v28;
	v25 =	vld.idx.msk [tilespmem:v30+s13+$0x0], $0xffff;
	[tilespmem:s24+$0xFFFFFF70] =	vst v54  }
0x135: {  	v1 =	vor.u32 $0x380, v21;
	v0 =	vor.u32 $0x380, v22;
	[tilespmem:s24+$0xFFFFFE60] =	vst v55;
	v21 =	vld.idx.msk [tilespmem:v57+s13+$0x0], $0xffff  }
0x136: {  	[tilespmem:s24+$0xFFFFFE80] =	vst v56;
	v22 =	vld.idx.msk [tilespmem:v31+s13+$0x0], $0xffff  }
0x137: {  	v27 =	vor.u32 $0x200, v3;
	[tilespmem:s24+$0xFFFFFE90] =	vst v58;
	v26 =	vld.idx.msk [tilespmem:v32+s13+$0x0], $0xffff  }
0x138: {  	v24 =	vld.idx.msk [tilespmem:v24+s13+$0x0], $0xffff;
	[tilespmem:s24+$0xFFFFFEA0] =	vst v59  }
0x139: {  	v28 =	vld.idx.msk [tilespmem:v33+s13+$0x0], $0xffff;
	[tilespmem:s24+$0xFFFFFEB0] =	vst v23  }
0x13a: {  	v23 =	vld.idx.msk [tilespmem:v34+s13+$0x0], $0xffff;
	[tilespmem:s24+$0xFFFFFEC0] =	vst v25  }
0x13b: {  	v25 =	vld.idx.msk [tilespmem:v35+s13+$0x0], $0xffff;
	[tilespmem:s24+$0xFFFFFFF0] =	vst v21  }
0x13c: {  	[tilespmem:s24+$0xFFFFFED0] =	vst v22;
	v21 =	vld.idx.msk [tilespmem:v27+s13+$0x0], $0xffff  }
0x13d: {  	v22 =	vld.idx.msk [tilespmem:v36+s13+$0x0], $0xffff;
	[tilespmem:s24+$0xFFFFFEE0] =	vst v26  }
0x13e: {  	v26 =	vor.u32 $0x280, v3;
	[tilespmem:s24+$0xFFFFFF00] =	vst v24;
	v24 =	vld.idx.msk [tilespmem:v37+s13+$0x0], $0xffff  }
0x13f: {  	[tilespmem:s24+$0xFFFFFF10] =	vst v28;
	v27 =	vld.idx.msk [tilespmem:v39+s13+$0x0], $0xffff  }
0x140: {  	v28 =	vld.idx.msk [tilespmem:v38+s13+$0x0], $0xffff;
	[tilespmem:s24+$0xFFFFFF20] =	vst v23  }
0x141: {  	v23 =	vld.idx.msk [tilespmem:v40+s13+$0x0], $0xffff;
	[tilespmem:s24+$0xFFFFFF30] =	vst v25  }
0x142: {  	v25 =	vld.idx.msk [tilespmem:v41+s13+$0x0], $0xffff;
	[tilespmem:s24+$0x70] =	vst v21  }
0x143: {  	[tilespmem:s24+$0xFFFFFF40] =	vst v22;
	v21 =	vld.idx.msk [tilespmem:v26+s13+$0x0], $0xffff  }
0x144: {  	v22 =	vld.idx.msk [tilespmem:v42+s13+$0x0], $0xffff;
	[tilespmem:s24+$0xFFFFFF50] =	vst v24  }
0x145: {  	v26 =	vor.u32 $0x300, v3;
	v24 =	vld.idx.msk [tilespmem:v43+s13+$0x0], $0xffff;
	[tilespmem:s24+$0xFFFFFF60] =	vst v27  }
0x146: {  	[tilespmem:s24+$0xFFFFFF80] =	vst v28;
	v27 =	vld.idx.msk [tilespmem:v44+s13+$0x0], $0xffff  }
0x147: {  	[tilespmem:s24+$0xFFFFFF90] =	vst v23;
	v23 =	vld.idx.msk [tilespmem:v45+s13+$0x0], $0xffff  }
0x148: {  	v28 =	vld.idx.msk [tilespmem:v46+s13+$0x0], $0xffff;
	[tilespmem:s24+$0xFFFFFFA0] =	vst v25  }
0x149: {  	v25 =	vld.idx.msk [tilespmem:v47+s13+$0x0], $0xffff;
	[tilespmem:s24+$0xF0] =	vst v21  }
0x14a: {  	[tilespmem:s24+$0xFFFFFFB0] =	vst v22;
	v21 =	vld.idx.msk [tilespmem:v26+s13+$0x0], $0xffff  }
0x14b: {  	v22 =	vld.idx.msk [tilespmem:v48+s13+$0x0], $0xffff;
	[tilespmem:s24+$0xFFFFFFC0] =	vst v24  }
0x14c: {  	v3 =	vor.u32 $0x380, v3;
	v24 =	vld.idx.msk [tilespmem:v49+s13+$0x0], $0xffff;
	[tilespmem:s24+$0xFFFFFFD0] =	vst v27  }
0x14d: {  	v26 =	vld.idx.msk [tilespmem:v50+s13+$0x0], $0xffff;
	[tilespmem:s24+$0xFFFFFFE0] =	vst v23  }
0x14e: {  	[tilespmem:s24+$0x0] =	vst v28;
	v23 =	vld.idx.msk [tilespmem:v51+s13+$0x0], $0xffff  }
0x14f: {  	[tilespmem:s24+$0x10] =	vst v25;
	v25 =	vld.idx.msk [tilespmem:v53+s13+$0x0], $0xffff  }
0x150: {  	v27 =	vld.idx.msk [tilespmem:v52+s13+$0x0], $0xffff;
	[tilespmem:s24+$0x170] =	vst v21  }
0x151: {  	[tilespmem:s24+$0x20] =	vst v22;
	v3 =	vld.idx.msk [tilespmem:v3+s13+$0x0], $0xffff  }
0x152: {  	v18 =	vld.idx.msk [tilespmem:v18+s13+$0x0], $0xffff;
	[tilespmem:s24+$0x30] =	vst v24  }
0x153: {  	v20 =	vld.idx.msk [tilespmem:v20+s13+$0x0], $0xffff;
	[tilespmem:s24+$0x40] =	vst v26  }
0x154: {  	v19 =	vld.idx.msk [tilespmem:v19+s13+$0x0], $0xffff;
	[tilespmem:s24+$0x50] =	vst v23  }
0x155: {  	v21 =	vld.idx.msk [tilespmem:v15+s13+$0x0], $0xffff;
	[tilespmem:s24+$0x60] =	vst v25  }
0x156: {  	[tilespmem:s24+$0x80] =	vst v27;
	v17 =	vld.idx.msk [tilespmem:v17+s13+$0x0], $0xffff  }
0x157: {  	v15 =	vld.idx.msk [tilespmem:v16+s13+$0x0], $0xffff;
	[tilespmem:s24+$0x1F0] =	vst v3  }
.Ltmp6:
0x158: {  	v14 =	vld.idx.msk [tilespmem:v14+s13+$0x0], $0xffff;
	[tilespmem:s24+$0x90] =	vst v18;
	(pc) =	sbr.rel @p0 .LBB2_9-.Ltmp6, $4  }
0x159: {  	v13 =	vld.idx.msk [tilespmem:v13+s13+$0x0], $0xffff;
	[tilespmem:s24+$0xA0] =	vst v20  }
0x15a: {  	v16 =	vld.idx.msk [tilespmem:v10+s13+$0x0], $0xffff;
	[tilespmem:s24+$0xB0] =	vst v19  }
0x15b: {  	v3 =	vld.idx.msk [tilespmem:v12+s13+$0x0], $0xffff;
	[tilespmem:s24+$0xC0] =	vst v21  }
0x15c: {  	s28 =	sadd.s32 $0x80, s28;
	v10 =	vld.idx.msk [tilespmem:v11+s13+$0x0], $0xffff;
	[tilespmem:s24+$0xD0] =	vst v17  }
0x15d: {  	_ =	sdelay $0x2  }
0x15e: {  	[tilespmem:s24+$0xE0] =	vst v15  }
0x15f: {  	[tilespmem:s24+$0x100] =	vst v14;
	v8 =	vld.idx.msk [tilespmem:v8+s13+$0x0], $0xffff  }
0x160: {  	[tilespmem:s24+$0x110] =	vst v13;
	v9 =	vld.idx.msk [tilespmem:v9+s13+$0x0], $0xffff  }
0x161: {  	v7 =	vld.idx.msk [tilespmem:v7+s13+$0x0], $0xffff;
	[tilespmem:s24+$0x120] =	vst v16  }
0x162: {  	v63 =	vld.idx.msk [tilespmem:v6+s13+$0x0], $0xffff;
	[tilespmem:s24+$0x130] =	vst v3  }
0x163: {  	v5 =	vld.idx.msk [tilespmem:v5+s13+$0x0], $0xffff;
	[tilespmem:s24+$0x140] =	vst v10  }
0x164: {  	v4 =	vld.idx.msk [tilespmem:v4+s13+$0x0], $0xffff;
	[tilespmem:s24+$0x150] =	vst v8  }
0x165: {  	v2 =	vld.idx.msk [tilespmem:v2+s13+$0x0], $0xffff;
	[tilespmem:s24+$0x160] =	vst v9  }
0x166: {  	[tilespmem:s24+$0x180] =	vst v7;
	v1 =	vld.idx.msk [tilespmem:v1+s13+$0x0], $0xffff  }
0x167: {  	[tilespmem:s25+$0x190] =	vst v63;
	v0 =	vld.idx.msk [tilespmem:v0+s13+$0x0], $0xffff  }
0x168: {  	p0 =	seq.s32 s22, $0x1F;
	[tilespmem:s25+$0x1A0] =	vst v5  }
.Ltmp7:
0x169: {  	[tilespmem:s25+$0x1B0] =	vst v4;
	(pc) =	sbr.rel @p0 .LBB2_12-.Ltmp7, $4  }
0x16a: {  	[tilespmem:s25+$0x1C0] =	vst v2  }
0x16b: {  	s31 =	sor.u32 s11, s23;
	[tilespmem:s25+$0x1D0] =	vst v1  }
0x16c: {  	s24 =	sadd.s32 s3, s31;
	[tilespmem:s25+$0x1E0] =	vst v0  }
0x16d: {  	[hbm4b:s24+s4] =	stream.linear.scatter [tilespmem:s19], [sflag:$0x4], $0x4000, $0x38;
	[tilespmem:$0x10800] =	vst v63  }
.Ltmp8:
0x16e: {  	(pc) =	sbr.rel .LBB2_2-.Ltmp8, $3  }
0x16f: {  	_ =	sdelay $0x1  }
0x170: {  	s23 =	sadd.s32 s23, s9;
	s22 =	sadd.s32 $0x1, s22  }
0x171: {  	[tilespmem:s13], [sflag:$0x2] =	stream.linear.gather [hbm4b:s23+s4], $0x4000, $0x38;
	[tilespmem:$0x10800] =	vst v63  }
.LBB2_13:
0x172: {  	_ =	sfence.sel $0x180000  }
0x173: {  	[bflag:$0x0] =	sbarrier.arrive $0xFFFF  }
0x174: {  	p0 =	sne.s32 s1, $0x0;
	_ =	strace $0x90000047  }
0x175: {  	s0 =	sadd.s32 @!p0 $0x100000, s0;
	[bflag:$0x2] =	sbarrier.arrive $0xFFFF  }
0x176: {  	[sflag:s0] =	ssyncadd.tile.s32 @!p0 $0x1;
	_ =	shalt  }
.Lfunc_end2:
_tile_overlayer_lowered:
.L_overlay_start_2:
0x177: {  	(tag) =	ssettag $0x2  }
0x178: {  	s0 =	rddreg [dreg:$0x0];
	s2 =	stileid.u32  }
0x179: {  	s1 =	rddreg [dreg:$0x1];
	p0 =	sne.s32 s2, $0x0  }
0x17a: {  	s3 =	rddreg [dreg:$0x2];
	[bflag:$0x3] =	sbarrier.arrive $0xFFFF;
	s2 =	simm.s32 @!p0 $0x1C05  }
0x17b: {  	[timem:s3], [sflag:s2] =	dma.local @!p0 [hbm:s0], s1  }
0x17c: {  	s0 =	simm.s32 @!p0 $0x5  }
0x17d: {  	_ =	swait.ge @!p0 [sflag:s0], s1  }
0x17e: {  	s1 =	ssub.s32 @!p0 $0x0, s1;
	[sflag:s0] =	ssyncset.done @!p0 $0x0  }
0x17f: {  	[sflag:s0] =	ssyncadd.s32 @!p0 s1  }
0x180: {  	[bflag:$0x3] =	sbarrier.arrive $0xFFFF  }
0x181: {  	_ =	shalt  }

</sc_bundles>
